<compile_context>
chip_gen: v7x
topology: tpu7x:2x2x1
jax: 0.10.2.dev20260603
libtpu: 0.0.44.dev20260713+nightly
codegen_flags: <defaults>
</compile_context>

<pallas_src>
import functools

import jax
import jax.numpy as jnp
from jax import lax
from jax.experimental import pallas as pl
from jax.experimental.pallas import tpu as pltpu
from jax.experimental.pallas import tpu_sc as plsc

_NC = 2
_NS = 16
_NW = _NC * _NS

_NB = 1024
_V = 49408
_S = 77
_SP = 80
_D = 768
_BPW = _NB // _NW
_NQ = 1
_Q = _SP // _NQ


def _make_gather():
    mesh = plsc.VectorSubcoreMesh(
        core_axis_name="c", subcore_axis_name="s",
        num_cores=_NC, num_subcores=_NS)

    @functools.partial(
        pl.kernel,
        mesh=mesh,
        out_type=jax.ShapeDtypeStruct((_NB, _S, _D), jnp.float32),
        scratch_types=[
            pltpu.VMEM((_BPW * _SP,), jnp.int32),
            pltpu.VMEM((2, _SP, _D), jnp.float32),
        ] + [pltpu.SemaphoreType.DMA] * 4,
    )
    def gather_kernel(idx_hbm, table_hbm, out_hbm, idx_v, rows_v,
                      gsem0, gsem1, osem0, osem1):
        gsems = (gsem0, gsem1)
        osems = (osem0, osem1)
        wid = lax.axis_index("s") * _NC + lax.axis_index("c")
        base = wid * _BPW
        pltpu.sync_copy(idx_hbm.at[pl.ds(base * _SP, _BPW * _SP)], idx_v)

        def g_start(j, q, buf):
            pltpu.async_copy(
                table_hbm.at[idx_v.at[pl.ds(j * _SP + q * _Q, _Q)]],
                rows_v.at[buf, pl.ds(q * _Q, _Q)], gsems[buf])

        def g_wait(j, q, buf):
            pltpu.make_async_copy(
                table_hbm.at[idx_v.at[pl.ds(j * _SP + q * _Q, _Q)]],
                rows_v.at[buf, pl.ds(q * _Q, _Q)], gsems[buf]).wait()

        def _odst(j):
            return out_hbm.at[base + j, pl.ds(0, _SP)]

        def o_start(j, buf):
            pltpu.async_copy(rows_v.at[buf], _odst(j), osems[buf])

        def o_wait(j, buf):
            pltpu.make_async_copy(rows_v.at[buf], _odst(j),
                                  osems[buf]).wait()

        for j in range(2):
            for q in range(_NQ):
                g_start(j, q, j)

        def body(p, _):
            for buf in range(2):
                j = 2 * p + buf

                @pl.when((j - 1 >= 0) & (j + 1 < _BPW))
                def _():
                    o_wait(j - 1, 1 - buf)
                    for q in range(_NQ):
                        g_start(j + 1, q, 1 - buf)

                for q in range(_NQ):
                    g_wait(j, q, buf)
                o_start(j, buf)
            return 0

        lax.fori_loop(0, _BPW // 2, body, 0)
        for j in (_BPW - 2, _BPW - 1):
            o_wait(j, j % 2)

    return gather_kernel


_gather = _make_gather()


@jax.jit
def kernel(input_ids, table):
    pad_ids = jnp.broadcast_to(
        (jnp.arange(_NB, dtype=jnp.int32) * 61 % _V)[:, None],
        (_NB, _SP - _S))
    ids_pad = jnp.concatenate([input_ids, pad_ids], axis=1).reshape(_NB * _SP)
    return _gather(ids_pad, table)

# --- scband reference (transcript-rebuilt; emitter-appended) ---
"""Pipeline reference for scband-embeddings-with-fixes-18640158064987 (READ-ONLY COPY).

The authoritative reference and input builder live on the scoring server;
editing this copy changes nothing except your own understanding.
"""

import jax, jax.numpy as jnp
import numpy as np

BATCH = 1024
SEQ = 77
VOCAB = 49408
DIM = 768


def setup_inputs(seed: int = 0) -> dict:
    key = jax.random.key(seed)
    k1, k2 = jax.random.split(key)
    input_ids = jax.random.randint(k1, (BATCH, SEQ), 0, VOCAB, dtype=jnp.int32)
    table = jax.random.normal(k2, (VOCAB, DIM), dtype=jnp.float32) * 0.02
    return {"input_ids": input_ids, "table": table}


def reference(input_ids, table):
    # EmbeddingsWithFixes.forward: batch_fixes = self.embeddings.fixes (None in the
    # steady state after being consumed); inputs_embeds = self.wrapped(input_ids).
    # With batch_fixes None/empty the module returns the plain embedding lookup.
    batch_fixes = None
    inputs_embeds = jnp.take(table, input_ids, axis=0)
    if batch_fixes is None or len(batch_fixes) == 0:
        return inputs_embeds
    # (textual-inversion fix path: splice embedding.vec rows into per-sample
    # sequences at given offsets; not exercised when no custom embeddings hit)
    return inputs_embeds

if __name__ == "__main__":
    import jax
    _d = setup_inputs()
    print(jax.jit(kernel)(*tuple(_d.values())))

</pallas_src>

<mosaic_0001>
#map = affine_map<(d0, d1) -> (0)>
#map1 = affine_map<(d0, d1) -> (0, 0)>
#map2 = affine_map<(d0, d1) -> (0, 0, 0)>
module attributes {stable_mosaic.version = 14 : i64} {
  func.func @gather_kernel(%arg0: i32, %arg1: i32, %arg2: memref<81920xi32, #tpu.memory_space<hbm>>, %arg3: memref<49408x768xf32, #tpu.memory_space<hbm>>, %arg4: memref<1024x77x768xf32, #tpu.memory_space<hbm>>, %arg5: memref<2560xi32, #tpu.memory_space<vmem>>, %arg6: memref<2x80x768xf32, #tpu.memory_space<vmem>>, %arg7: memref<!tpu.dma_semaphore, #tpu.memory_space<semaphore_mem>>, %arg8: memref<!tpu.dma_semaphore, #tpu.memory_space<semaphore_mem>>, %arg9: memref<!tpu.dma_semaphore, #tpu.memory_space<semaphore_mem>>, %arg10: memref<!tpu.dma_semaphore, #tpu.memory_space<semaphore_mem>>) attributes {dimension_semantics = [#tpu.dimension_semantics<core_parallel>, #tpu.dimension_semantics<subcore_parallel>], iteration_bounds = array<i64: 2, 16>, scalar_prefetch = 0 : i64, scratch_operands = 6 : i64, tpu.core_type = #tpu.core_type<sc_vector_subcore>, window_params = [{transform_indices = #map}, {transform_indices = #map1}, {transform_indices = #map2}]} {
    %mul3A = arith.constant 2 : i32
    %mul3A_0 = arith.muli %arg1, %mul3A : i32
    %add3A = arith.addi %mul3A_0, %arg0 : i32
    %mul3A_1 = arith.constant 32 : i32
    %mul3A_2 = arith.muli %add3A, %mul3A_1 : i32
    %mul3A_3 = arith.constant 80 : i32
    %mul3A_4 = arith.muli %mul3A_2, %mul3A_3 : i32
    "tpu.region"() ({
      %run_scoped3A = tpu.sem_alloc : memref<!tpu.dma_semaphore, #tpu.memory_space<semaphore_mem>>
      %dma_start3A_67 = tpu.memref_slice %arg2[%mul3A_4] : memref<81920xi32, #tpu.memory_space<hbm>> -> memref<2560xi32, #tpu.memory_space<hbm>>
      %dma_start3A_68 = tpu.memref_slice %arg2[%mul3A_4] : memref<81920xi32, #tpu.memory_space<hbm>> -> memref<2560xi32, #tpu.memory_space<hbm>>
      tpu.enqueue_dma source(%dma_start3A_68 : memref<2560xi32, #tpu.memory_space<hbm>>) target(%arg5 : memref<2560xi32, #tpu.memory_space<vmem>>) target_semaphore(%run_scoped3A : memref<!tpu.dma_semaphore, #tpu.memory_space<semaphore_mem>>)
      %dma_wait3A_69 = tpu.memref_slice %arg2[%mul3A_4] : memref<81920xi32, #tpu.memory_space<hbm>> -> memref<2560xi32, #tpu.memory_space<hbm>>
      %dma_wait3A_70 = tpu.memref_slice %arg2[%mul3A_4] : memref<81920xi32, #tpu.memory_space<hbm>> -> memref<2560xi32, #tpu.memory_space<hbm>>
      tpu.wait_dma2 semaphore(%run_scoped3A : memref<!tpu.dma_semaphore, #tpu.memory_space<semaphore_mem>>) src(%dma_wait3A_70 : memref<2560xi32, #tpu.memory_space<hbm>>) dst(%arg5 : memref<2560xi32, #tpu.memory_space<vmem>>)
      tpu.yield
    }) : () -> ()
    %dma_start3A = arith.constant 0 : i32
    %dma_start3A_5 = arith.constant 0 : i32
    %dma_start3A_6 = arith.constant 0 : i32
    %dma_start3A_7 = tpu.memref_slice %arg6[%dma_start3A, %dma_start3A_5, %dma_start3A_6] : memref<2x80x768xf32, #tpu.memory_space<vmem>> -> memref<1x80x768xf32, #tpu.memory_space<vmem>>
    %dma_start3A_8 = tpu.memref_squeeze %dma_start3A_7 : memref<1x80x768xf32, #tpu.memory_space<vmem>> -> memref<80x768xf32, #tpu.memory_space<vmem>>
    %dma_start3A_9 = arith.constant 0 : i32
    %dma_start3A_10 = tpu.memref_slice %arg5[%dma_start3A_9] : memref<2560xi32, #tpu.memory_space<vmem>> -> memref<80xi32, #tpu.memory_space<vmem>>
    %dma_start3A_11 = arith.constant 0 : i32
    %dma_start3A_12 = arith.constant 0 : i32
    %dma_start3A_13 = tpu.memref_slice %arg3[%dma_start3A_11, %dma_start3A_12] : memref<49408x768xf32, #tpu.memory_space<hbm>> -> memref<49408x768xf32, #tpu.memory_space<hbm>>
    tpu.enqueue_indirect_dma source(%dma_start3A_13 : memref<49408x768xf32, #tpu.memory_space<hbm>>) target(%dma_start3A_8 : memref<80x768xf32, #tpu.memory_space<vmem>>) offsets(%dma_start3A_10 : memref<80xi32, #tpu.memory_space<vmem>>) semaphore(%arg7 : memref<!tpu.dma_semaphore, #tpu.memory_space<semaphore_mem>>)
    %dma_start3A_14 = arith.constant 1 : i32
    %dma_start3A_15 = arith.constant 0 : i32
    %dma_start3A_16 = arith.constant 0 : i32
    %dma_start3A_17 = tpu.memref_slice %arg6[%dma_start3A_14, %dma_start3A_15, %dma_start3A_16] : memref<2x80x768xf32, #tpu.memory_space<vmem>> -> memref<1x80x768xf32, #tpu.memory_space<vmem>>
    %dma_start3A_18 = tpu.memref_squeeze %dma_start3A_17 : memref<1x80x768xf32, #tpu.memory_space<vmem>> -> memref<80x768xf32, #tpu.memory_space<vmem>>
    %dma_start3A_19 = arith.constant 80 : i32
    %dma_start3A_20 = tpu.memref_slice %arg5[%dma_start3A_19] : memref<2560xi32, #tpu.memory_space<vmem>> -> memref<80xi32, #tpu.memory_space<vmem>>
    %dma_start3A_21 = arith.constant 0 : i32
    %dma_start3A_22 = arith.constant 0 : i32
    %dma_start3A_23 = tpu.memref_slice %arg3[%dma_start3A_21, %dma_start3A_22] : memref<49408x768xf32, #tpu.memory_space<hbm>> -> memref<49408x768xf32, #tpu.memory_space<hbm>>
    tpu.enqueue_indirect_dma source(%dma_start3A_23 : memref<49408x768xf32, #tpu.memory_space<hbm>>) target(%dma_start3A_18 : memref<80x768xf32, #tpu.memory_space<vmem>>) offsets(%dma_start3A_20 : memref<80xi32, #tpu.memory_space<vmem>>) semaphore(%arg8 : memref<!tpu.dma_semaphore, #tpu.memory_space<semaphore_mem>>)
    %scan3A = arith.constant 0 : i32
    %scan3A_24 = arith.constant 0 : i32
    %scan3A_25 = arith.constant 16 : i32
    %scan3A_26 = arith.addi %scan3A_24, %scan3A_25 : i32
    %scan3A_27 = arith.constant 1 : i32
    %scan3A_28 = scf.for %scan3A_67 = %scan3A_24 to %scan3A_26 step %scan3A_27 iter_args(%scan3A_68 = %scan3A) -> (i32)  : i32 {
      %mul3A_69 = arith.constant 2 : i32
      %mul3A_70 = arith.muli %mul3A_69, %scan3A_67 : i32
      %add3A_71 = arith.constant 0 : i32
      %add3A_72 = arith.addi %mul3A_70, %add3A_71 : i32
      %sub3A = arith.constant 1 : i32
      %sub3A_73 = arith.subi %add3A_72, %sub3A : i32
      %ge3A = arith.constant 0 : i32
      %ge3A_74 = arith.cmpi sge, %sub3A_73, %ge3A : i32
      %add3A_75 = arith.constant 1 : i32
      %add3A_76 = arith.addi %add3A_72, %add3A_75 : i32
      %lt3A = arith.constant 32 : i32
      %lt3A_77 = arith.cmpi slt, %add3A_76, %lt3A : i32
      %and3A = arith.andi %ge3A_74, %lt3A_77 : i1
      %convert_element_type3A = arith.extui %and3A : i1 to i32
      %cond3A = arith.constant 0 : i32
      %cond3A_78 = arith.cmpi ne, %convert_element_type3A, %cond3A : i32
      scf.if %cond3A_78 {
        %sub3A_158 = arith.constant 1 : i32
        %sub3A_159 = arith.subi %add3A_72, %sub3A_158 : i32
        %add3A_160 = arith.addi %mul3A_2, %sub3A_159 : i32
        %dma_wait3A_161 = arith.constant 1 : i32
        %dma_wait3A_162 = arith.constant 0 : i32
        %dma_wait3A_163 = arith.constant 0 : i32
        %dma_wait3A_164 = tpu.memref_slice %arg6[%dma_wait3A_161, %dma_wait3A_162, %dma_wait3A_163] : memref<2x80x768xf32, #tpu.memory_space<vmem>> -> memref<1x80x768xf32, #tpu.memory_space<vmem>>
        %dma_wait3A_165 = tpu.memref_squeeze %dma_wait3A_164 : memref<1x80x768xf32, #tpu.memory_space<vmem>> -> memref<80x768xf32, #tpu.memory_space<vmem>>
        %dma_wait3A_166 = arith.constant 0 : i32
        %dma_wait3A_167 = arith.constant 0 : i32
        %dma_wait3A_168 = tpu.memref_slice %arg4[%add3A_160, %dma_wait3A_166, %dma_wait3A_167] : memref<1024x77x768xf32, #tpu.memory_space<hbm>> -> memref<1x80x768xf32, #tpu.memory_space<hbm>>
        %dma_wait3A_169 = tpu.memref_squeeze %dma_wait3A_168 : memref<1x80x768xf32, #tpu.memory_space<hbm>> -> memref<80x768xf32, #tpu.memory_space<hbm>>
        %dma_wait3A_170 = arith.constant 0 : i32
        %dma_wait3A_171 = arith.constant 0 : i32
        %dma_wait3A_172 = tpu.memref_slice %arg4[%add3A_160, %dma_wait3A_170, %dma_wait3A_171] : memref<1024x77x768xf32, #tpu.memory_space<hbm>> -> memref<1x80x768xf32, #tpu.memory_space<hbm>>
        %dma_wait3A_173 = tpu.memref_squeeze %dma_wait3A_172 : memref<1x80x768xf32, #tpu.memory_space<hbm>> -> memref<80x768xf32, #tpu.memory_space<hbm>>
        %dma_wait3A_174 = arith.constant 0 : i32
        %dma_wait3A_175 = arith.constant 0 : i32
        %dma_wait3A_176 = tpu.memref_slice %arg6[%dma_wait3A_161, %dma_wait3A_174, %dma_wait3A_175] : memref<2x80x768xf32, #tpu.memory_space<vmem>> -> memref<1x80x768xf32, #tpu.memory_space<vmem>>
        %dma_wait3A_177 = tpu.memref_squeeze %dma_wait3A_176 : memref<1x80x768xf32, #tpu.memory_space<vmem>> -> memref<80x768xf32, #tpu.memory_space<vmem>>
        tpu.wait_dma2 semaphore(%arg10 : memref<!tpu.dma_semaphore, #tpu.memory_space<semaphore_mem>>) src(%dma_wait3A_177 : memref<80x768xf32, #tpu.memory_space<vmem>>) dst(%dma_wait3A_173 : memref<80x768xf32, #tpu.memory_space<hbm>>)
        %add3A_178 = arith.constant 1 : i32
        %add3A_179 = arith.addi %add3A_72, %add3A_178 : i32
        %mul3A_180 = arith.constant 80 : i32
        %mul3A_181 = arith.muli %add3A_179, %mul3A_180 : i32
        %add3A_182 = arith.constant 0 : i32
        %add3A_183 = arith.addi %mul3A_181, %add3A_182 : i32
        %dma_start3A_184 = arith.constant 1 : i32
        %dma_start3A_185 = arith.constant 0 : i32
        %dma_start3A_186 = arith.constant 0 : i32
        %dma_start3A_187 = tpu.memref_slice %arg6[%dma_start3A_184, %dma_start3A_185, %dma_start3A_186] : memref<2x80x768xf32, #tpu.memory_space<vmem>> -> memref<1x80x768xf32, #tpu.memory_space<vmem>>
        %dma_start3A_188 = tpu.memref_squeeze %dma_start3A_187 : memref<1x80x768xf32, #tpu.memory_space<vmem>> -> memref<80x768xf32, #tpu.memory_space<vmem>>
        %dma_start3A_189 = tpu.memref_slice %arg5[%add3A_183] : memref<2560xi32, #tpu.memory_space<vmem>> -> memref<80xi32, #tpu.memory_space<vmem>>
        %dma_start3A_190 = arith.constant 0 : i32
        %dma_start3A_191 = arith.constant 0 : i32
        %dma_start3A_192 = tpu.memref_slice %arg3[%dma_start3A_190, %dma_start3A_191] : memref<49408x768xf32, #tpu.memory_space<hbm>> -> memref<49408x768xf32, #tpu.memory_space<hbm>>
        tpu.enqueue_indirect_dma source(%dma_start3A_192 : memref<49408x768xf32, #tpu.memory_space<hbm>>) target(%dma_start3A_188 : memref<80x768xf32, #tpu.memory_space<vmem>>) offsets(%dma_start3A_189 : memref<80xi32, #tpu.memory_space<vmem>>) semaphore(%arg8 : memref<!tpu.dma_semaphore, #tpu.memory_space<semaphore_mem>>)
      } else {
      }
      %mul3A_79 = arith.constant 80 : i32
      %mul3A_80 = arith.muli %add3A_72, %mul3A_79 : i32
      %add3A_81 = arith.constant 0 : i32
      %add3A_82 = arith.addi %mul3A_80, %add3A_81 : i32
      %dma_wait3A_83 = arith.constant 0 : i32
      %dma_wait3A_84 = arith.constant 0 : i32
      %dma_wait3A_85 = arith.constant 0 : i32
      %dma_wait3A_86 = tpu.memref_slice %arg6[%dma_wait3A_83, %dma_wait3A_84, %dma_wait3A_85] : memref<2x80x768xf32, #tpu.memory_space<vmem>> -> memref<1x80x768xf32, #tpu.memory_space<vmem>>
      %dma_wait3A_87 = tpu.memref_squeeze %dma_wait3A_86 : memref<1x80x768xf32, #tpu.memory_space<vmem>> -> memref<80x768xf32, #tpu.memory_space<vmem>>
      %dma_wait3A_88 = tpu.memref_slice %arg5[%add3A_82] : memref<2560xi32, #tpu.memory_space<vmem>> -> memref<80xi32, #tpu.memory_space<vmem>>
      %dma_wait3A_89 = arith.constant 0 : i32
      %dma_wait3A_90 = arith.constant 0 : i32
      %dma_wait3A_91 = tpu.memref_slice %arg3[%dma_wait3A_89, %dma_wait3A_90] : memref<49408x768xf32, #tpu.memory_space<hbm>> -> memref<49408x768xf32, #tpu.memory_space<hbm>>
      tpu.wait_indirect_dma semaphore(%arg7 : memref<!tpu.dma_semaphore, #tpu.memory_space<semaphore_mem>>) src(%dma_wait3A_91 : memref<49408x768xf32, #tpu.memory_space<hbm>>) dst(%dma_wait3A_87 : memref<80x768xf32, #tpu.memory_space<vmem>>)
      %add3A_92 = arith.addi %mul3A_2, %add3A_72 : i32
      %dma_start3A_93 = arith.constant 0 : i32
      %dma_start3A_94 = arith.constant 0 : i32
      %dma_start3A_95 = arith.constant 0 : i32
      %dma_start3A_96 = tpu.memref_slice %arg6[%dma_start3A_93, %dma_start3A_94, %dma_start3A_95] : memref<2x80x768xf32, #tpu.memory_space<vmem>> -> memref<1x80x768xf32, #tpu.memory_space<vmem>>
      %dma_start3A_97 = tpu.memref_squeeze %dma_start3A_96 : memref<1x80x768xf32, #tpu.memory_space<vmem>> -> memref<80x768xf32, #tpu.memory_space<vmem>>
      %dma_start3A_98 = arith.constant 0 : i32
      %dma_start3A_99 = arith.constant 0 : i32
      %dma_start3A_100 = tpu.memref_slice %arg4[%add3A_92, %dma_start3A_98, %dma_start3A_99] : memref<1024x77x768xf32, #tpu.memory_space<hbm>> -> memref<1x80x768xf32, #tpu.memory_space<hbm>>
      %dma_start3A_101 = tpu.memref_squeeze %dma_start3A_100 : memref<1x80x768xf32, #tpu.memory_space<hbm>> -> memref<80x768xf32, #tpu.memory_space<hbm>>
      %dma_start3A_102 = arith.constant 0 : i32
      %dma_start3A_103 = arith.constant 0 : i32
      %dma_start3A_104 = tpu.memref_slice %arg4[%add3A_92, %dma_start3A_102, %dma_start3A_103] : memref<1024x77x768xf32, #tpu.memory_space<hbm>> -> memref<1x80x768xf32, #tpu.memory_space<hbm>>
      %dma_start3A_105 = tpu.memref_squeeze %dma_start3A_104 : memref<1x80x768xf32, #tpu.memory_space<hbm>> -> memref<80x768xf32, #tpu.memory_space<hbm>>
      %dma_start3A_106 = arith.constant 0 : i32
      %dma_start3A_107 = arith.constant 0 : i32
      %dma_start3A_108 = tpu.memref_slice %arg6[%dma_start3A_93, %dma_start3A_106, %dma_start3A_107] : memref<2x80x768xf32, #tpu.memory_space<vmem>> -> memref<1x80x768xf32, #tpu.memory_space<vmem>>
      %dma_start3A_109 = tpu.memref_squeeze %dma_start3A_108 : memref<1x80x768xf32, #tpu.memory_space<vmem>> -> memref<80x768xf32, #tpu.memory_space<vmem>>
      tpu.enqueue_dma source(%dma_start3A_109 : memref<80x768xf32, #tpu.memory_space<vmem>>) target(%dma_start3A_105 : memref<80x768xf32, #tpu.memory_space<hbm>>) target_semaphore(%arg9 : memref<!tpu.dma_semaphore, #tpu.memory_space<semaphore_mem>>)
      %mul3A_110 = arith.constant 2 : i32
      %mul3A_111 = arith.muli %mul3A_110, %scan3A_67 : i32
      %add3A_112 = arith.constant 1 : i32
      %add3A_113 = arith.addi %mul3A_111, %add3A_112 : i32
      %sub3A_114 = arith.constant 1 : i32
      %sub3A_115 = arith.subi %add3A_113, %sub3A_114 : i32
      %ge3A_116 = arith.constant 0 : i32
      %ge3A_117 = arith.cmpi sge, %sub3A_115, %ge3A_116 : i32
      %add3A_118 = arith.constant 1 : i32
      %add3A_119 = arith.addi %add3A_113, %add3A_118 : i32
      %lt3A_120 = arith.constant 32 : i32
      %lt3A_121 = arith.cmpi slt, %add3A_119, %lt3A_120 : i32
      %and3A_122 = arith.andi %ge3A_117, %lt3A_121 : i1
      %convert_element_type3A_123 = arith.extui %and3A_122 : i1 to i32
      %cond3A_124 = arith.constant 0 : i32
      %cond3A_125 = arith.cmpi ne, %convert_element_type3A_123, %cond3A_124 : i32
      scf.if %cond3A_125 {
        %sub3A_158 = arith.constant 1 : i32
        %sub3A_159 = arith.subi %add3A_113, %sub3A_158 : i32
        %add3A_160 = arith.addi %mul3A_2, %sub3A_159 : i32
        %dma_wait3A_161 = arith.constant 0 : i32
        %dma_wait3A_162 = arith.constant 0 : i32
        %dma_wait3A_163 = arith.constant 0 : i32
        %dma_wait3A_164 = tpu.memref_slice %arg6[%dma_wait3A_161, %dma_wait3A_162, %dma_wait3A_163] : memref<2x80x768xf32, #tpu.memory_space<vmem>> -> memref<1x80x768xf32, #tpu.memory_space<vmem>>
        %dma_wait3A_165 = tpu.memref_squeeze %dma_wait3A_164 : memref<1x80x768xf32, #tpu.memory_space<vmem>> -> memref<80x768xf32, #tpu.memory_space<vmem>>
        %dma_wait3A_166 = arith.constant 0 : i32
        %dma_wait3A_167 = arith.constant 0 : i32
        %dma_wait3A_168 = tpu.memref_slice %arg4[%add3A_160, %dma_wait3A_166, %dma_wait3A_167] : memref<1024x77x768xf32, #tpu.memory_space<hbm>> -> memref<1x80x768xf32, #tpu.memory_space<hbm>>
        %dma_wait3A_169 = tpu.memref_squeeze %dma_wait3A_168 : memref<1x80x768xf32, #tpu.memory_space<hbm>> -> memref<80x768xf32, #tpu.memory_space<hbm>>
        %dma_wait3A_170 = arith.constant 0 : i32
        %dma_wait3A_171 = arith.constant 0 : i32
        %dma_wait3A_172 = tpu.memref_slice %arg4[%add3A_160, %dma_wait3A_170, %dma_wait3A_171] : memref<1024x77x768xf32, #tpu.memory_space<hbm>> -> memref<1x80x768xf32, #tpu.memory_space<hbm>>
        %dma_wait3A_173 = tpu.memref_squeeze %dma_wait3A_172 : memref<1x80x768xf32, #tpu.memory_space<hbm>> -> memref<80x768xf32, #tpu.memory_space<hbm>>
        %dma_wait3A_174 = arith.constant 0 : i32
        %dma_wait3A_175 = arith.constant 0 : i32
        %dma_wait3A_176 = tpu.memref_slice %arg6[%dma_wait3A_161, %dma_wait3A_174, %dma_wait3A_175] : memref<2x80x768xf32, #tpu.memory_space<vmem>> -> memref<1x80x768xf32, #tpu.memory_space<vmem>>
        %dma_wait3A_177 = tpu.memref_squeeze %dma_wait3A_176 : memref<1x80x768xf32, #tpu.memory_space<vmem>> -> memref<80x768xf32, #tpu.memory_space<vmem>>
        tpu.wait_dma2 semaphore(%arg9 : memref<!tpu.dma_semaphore, #tpu.memory_space<semaphore_mem>>) src(%dma_wait3A_177 : memref<80x768xf32, #tpu.memory_space<vmem>>) dst(%dma_wait3A_173 : memref<80x768xf32, #tpu.memory_space<hbm>>)
        %add3A_178 = arith.constant 1 : i32
        %add3A_179 = arith.addi %add3A_113, %add3A_178 : i32
        %mul3A_180 = arith.constant 80 : i32
        %mul3A_181 = arith.muli %add3A_179, %mul3A_180 : i32
        %add3A_182 = arith.constant 0 : i32
        %add3A_183 = arith.addi %mul3A_181, %add3A_182 : i32
        %dma_start3A_184 = arith.constant 0 : i32
        %dma_start3A_185 = arith.constant 0 : i32
        %dma_start3A_186 = arith.constant 0 : i32
        %dma_start3A_187 = tpu.memref_slice %arg6[%dma_start3A_184, %dma_start3A_185, %dma_start3A_186] : memref<2x80x768xf32, #tpu.memory_space<vmem>> -> memref<1x80x768xf32, #tpu.memory_space<vmem>>
        %dma_start3A_188 = tpu.memref_squeeze %dma_start3A_187 : memref<1x80x768xf32, #tpu.memory_space<vmem>> -> memref<80x768xf32, #tpu.memory_space<vmem>>
        %dma_start3A_189 = tpu.memref_slice %arg5[%add3A_183] : memref<2560xi32, #tpu.memory_space<vmem>> -> memref<80xi32, #tpu.memory_space<vmem>>
        %dma_start3A_190 = arith.constant 0 : i32
        %dma_start3A_191 = arith.constant 0 : i32
        %dma_start3A_192 = tpu.memref_slice %arg3[%dma_start3A_190, %dma_start3A_191] : memref<49408x768xf32, #tpu.memory_space<hbm>> -> memref<49408x768xf32, #tpu.memory_space<hbm>>
        tpu.enqueue_indirect_dma source(%dma_start3A_192 : memref<49408x768xf32, #tpu.memory_space<hbm>>) target(%dma_start3A_188 : memref<80x768xf32, #tpu.memory_space<vmem>>) offsets(%dma_start3A_189 : memref<80xi32, #tpu.memory_space<vmem>>) semaphore(%arg7 : memref<!tpu.dma_semaphore, #tpu.memory_space<semaphore_mem>>)
      } else {
      }
      %mul3A_126 = arith.constant 80 : i32
      %mul3A_127 = arith.muli %add3A_113, %mul3A_126 : i32
      %add3A_128 = arith.constant 0 : i32
      %add3A_129 = arith.addi %mul3A_127, %add3A_128 : i32
      %dma_wait3A_130 = arith.constant 1 : i32
      %dma_wait3A_131 = arith.constant 0 : i32
      %dma_wait3A_132 = arith.constant 0 : i32
      %dma_wait3A_133 = tpu.memref_slice %arg6[%dma_wait3A_130, %dma_wait3A_131, %dma_wait3A_132] : memref<2x80x768xf32, #tpu.memory_space<vmem>> -> memref<1x80x768xf32, #tpu.memory_space<vmem>>
      %dma_wait3A_134 = tpu.memref_squeeze %dma_wait3A_133 : memref<1x80x768xf32, #tpu.memory_space<vmem>> -> memref<80x768xf32, #tpu.memory_space<vmem>>
      %dma_wait3A_135 = tpu.memref_slice %arg5[%add3A_129] : memref<2560xi32, #tpu.memory_space<vmem>> -> memref<80xi32, #tpu.memory_space<vmem>>
      %dma_wait3A_136 = arith.constant 0 : i32
      %dma_wait3A_137 = arith.constant 0 : i32
      %dma_wait3A_138 = tpu.memref_slice %arg3[%dma_wait3A_136, %dma_wait3A_137] : memref<49408x768xf32, #tpu.memory_space<hbm>> -> memref<49408x768xf32, #tpu.memory_space<hbm>>
      tpu.wait_indirect_dma semaphore(%arg8 : memref<!tpu.dma_semaphore, #tpu.memory_space<semaphore_mem>>) src(%dma_wait3A_138 : memref<49408x768xf32, #tpu.memory_space<hbm>>) dst(%dma_wait3A_134 : memref<80x768xf32, #tpu.memory_space<vmem>>)
      %add3A_139 = arith.addi %mul3A_2, %add3A_113 : i32
      %dma_start3A_140 = arith.constant 1 : i32
      %dma_start3A_141 = arith.constant 0 : i32
      %dma_start3A_142 = arith.constant 0 : i32
      %dma_start3A_143 = tpu.memref_slice %arg6[%dma_start3A_140, %dma_start3A_141, %dma_start3A_142] : memref<2x80x768xf32, #tpu.memory_space<vmem>> -> memref<1x80x768xf32, #tpu.memory_space<vmem>>
      %dma_start3A_144 = tpu.memref_squeeze %dma_start3A_143 : memref<1x80x768xf32, #tpu.memory_space<vmem>> -> memref<80x768xf32, #tpu.memory_space<vmem>>
      %dma_start3A_145 = arith.constant 0 : i32
      %dma_start3A_146 = arith.constant 0 : i32
      %dma_start3A_147 = tpu.memref_slice %arg4[%add3A_139, %dma_start3A_145, %dma_start3A_146] : memref<1024x77x768xf32, #tpu.memory_space<hbm>> -> memref<1x80x768xf32, #tpu.memory_space<hbm>>
      %dma_start3A_148 = tpu.memref_squeeze %dma_start3A_147 : memref<1x80x768xf32, #tpu.memory_space<hbm>> -> memref<80x768xf32, #tpu.memory_space<hbm>>
      %dma_start3A_149 = arith.constant 0 : i32
      %dma_start3A_150 = arith.constant 0 : i32
      %dma_start3A_151 = tpu.memref_slice %arg4[%add3A_139, %dma_start3A_149, %dma_start3A_150] : memref<1024x77x768xf32, #tpu.memory_space<hbm>> -> memref<1x80x768xf32, #tpu.memory_space<hbm>>
      %dma_start3A_152 = tpu.memref_squeeze %dma_start3A_151 : memref<1x80x768xf32, #tpu.memory_space<hbm>> -> memref<80x768xf32, #tpu.memory_space<hbm>>
      %dma_start3A_153 = arith.constant 0 : i32
      %dma_start3A_154 = arith.constant 0 : i32
      %dma_start3A_155 = tpu.memref_slice %arg6[%dma_start3A_140, %dma_start3A_153, %dma_start3A_154] : memref<2x80x768xf32, #tpu.memory_space<vmem>> -> memref<1x80x768xf32, #tpu.memory_space<vmem>>
      %dma_start3A_156 = tpu.memref_squeeze %dma_start3A_155 : memref<1x80x768xf32, #tpu.memory_space<vmem>> -> memref<80x768xf32, #tpu.memory_space<vmem>>
      tpu.enqueue_dma source(%dma_start3A_156 : memref<80x768xf32, #tpu.memory_space<vmem>>) target(%dma_start3A_152 : memref<80x768xf32, #tpu.memory_space<hbm>>) target_semaphore(%arg10 : memref<!tpu.dma_semaphore, #tpu.memory_space<semaphore_mem>>)
      %scan3A_157 = arith.constant 0 : i32
      scf.yield %scan3A_157 : i32
    }
    %scan3A_29 = arith.constant 16 : i32
    %add3A_30 = arith.constant 30 : i32
    %add3A_31 = arith.addi %mul3A_2, %add3A_30 : i32
    %dma_wait3A = arith.constant 0 : i32
    %dma_wait3A_32 = arith.constant 0 : i32
    %dma_wait3A_33 = arith.constant 0 : i32
    %dma_wait3A_34 = tpu.memref_slice %arg6[%dma_wait3A, %dma_wait3A_32, %dma_wait3A_33] : memref<2x80x768xf32, #tpu.memory_space<vmem>> -> memref<1x80x768xf32, #tpu.memory_space<vmem>>
    %dma_wait3A_35 = tpu.memref_squeeze %dma_wait3A_34 : memref<1x80x768xf32, #tpu.memory_space<vmem>> -> memref<80x768xf32, #tpu.memory_space<vmem>>
    %dma_wait3A_36 = arith.constant 0 : i32
    %dma_wait3A_37 = arith.constant 0 : i32
    %dma_wait3A_38 = tpu.memref_slice %arg4[%add3A_31, %dma_wait3A_36, %dma_wait3A_37] : memref<1024x77x768xf32, #tpu.memory_space<hbm>> -> memref<1x80x768xf32, #tpu.memory_space<hbm>>
    %dma_wait3A_39 = tpu.memref_squeeze %dma_wait3A_38 : memref<1x80x768xf32, #tpu.memory_space<hbm>> -> memref<80x768xf32, #tpu.memory_space<hbm>>
    %dma_wait3A_40 = arith.constant 0 : i32
    %dma_wait3A_41 = arith.constant 0 : i32
    %dma_wait3A_42 = tpu.memref_slice %arg4[%add3A_31, %dma_wait3A_40, %dma_wait3A_41] : memref<1024x77x768xf32, #tpu.memory_space<hbm>> -> memref<1x80x768xf32, #tpu.memory_space<hbm>>
    %dma_wait3A_43 = tpu.memref_squeeze %dma_wait3A_42 : memref<1x80x768xf32, #tpu.memory_space<hbm>> -> memref<80x768xf32, #tpu.memory_space<hbm>>
    %dma_wait3A_44 = arith.constant 0 : i32
    %dma_wait3A_45 = arith.constant 0 : i32
    %dma_wait3A_46 = tpu.memref_slice %arg6[%dma_wait3A, %dma_wait3A_44, %dma_wait3A_45] : memref<2x80x768xf32, #tpu.memory_space<vmem>> -> memref<1x80x768xf32, #tpu.memory_space<vmem>>
    %dma_wait3A_47 = tpu.memref_squeeze %dma_wait3A_46 : memref<1x80x768xf32, #tpu.memory_space<vmem>> -> memref<80x768xf32, #tpu.memory_space<vmem>>
    tpu.wait_dma2 semaphore(%arg9 : memref<!tpu.dma_semaphore, #tpu.memory_space<semaphore_mem>>) src(%dma_wait3A_47 : memref<80x768xf32, #tpu.memory_space<vmem>>) dst(%dma_wait3A_43 : memref<80x768xf32, #tpu.memory_space<hbm>>)
    %add3A_48 = arith.constant 31 : i32
    %add3A_49 = arith.addi %mul3A_2, %add3A_48 : i32
    %dma_wait3A_50 = arith.constant 1 : i32
    %dma_wait3A_51 = arith.constant 0 : i32
    %dma_wait3A_52 = arith.constant 0 : i32
    %dma_wait3A_53 = tpu.memref_slice %arg6[%dma_wait3A_50, %dma_wait3A_51, %dma_wait3A_52] : memref<2x80x768xf32, #tpu.memory_space<vmem>> -> memref<1x80x768xf32, #tpu.memory_space<vmem>>
    %dma_wait3A_54 = tpu.memref_squeeze %dma_wait3A_53 : memref<1x80x768xf32, #tpu.memory_space<vmem>> -> memref<80x768xf32, #tpu.memory_space<vmem>>
    %dma_wait3A_55 = arith.constant 0 : i32
    %dma_wait3A_56 = arith.constant 0 : i32
    %dma_wait3A_57 = tpu.memref_slice %arg4[%add3A_49, %dma_wait3A_55, %dma_wait3A_56] : memref<1024x77x768xf32, #tpu.memory_space<hbm>> -> memref<1x80x768xf32, #tpu.memory_space<hbm>>
    %dma_wait3A_58 = tpu.memref_squeeze %dma_wait3A_57 : memref<1x80x768xf32, #tpu.memory_space<hbm>> -> memref<80x768xf32, #tpu.memory_space<hbm>>
    %dma_wait3A_59 = arith.constant 0 : i32
    %dma_wait3A_60 = arith.constant 0 : i32
    %dma_wait3A_61 = tpu.memref_slice %arg4[%add3A_49, %dma_wait3A_59, %dma_wait3A_60] : memref<1024x77x768xf32, #tpu.memory_space<hbm>> -> memref<1x80x768xf32, #tpu.memory_space<hbm>>
    %dma_wait3A_62 = tpu.memref_squeeze %dma_wait3A_61 : memref<1x80x768xf32, #tpu.memory_space<hbm>> -> memref<80x768xf32, #tpu.memory_space<hbm>>
    %dma_wait3A_63 = arith.constant 0 : i32
    %dma_wait3A_64 = arith.constant 0 : i32
    %dma_wait3A_65 = tpu.memref_slice %arg6[%dma_wait3A_50, %dma_wait3A_63, %dma_wait3A_64] : memref<2x80x768xf32, #tpu.memory_space<vmem>> -> memref<1x80x768xf32, #tpu.memory_space<vmem>>
    %dma_wait3A_66 = tpu.memref_squeeze %dma_wait3A_65 : memref<1x80x768xf32, #tpu.memory_space<vmem>> -> memref<80x768xf32, #tpu.memory_space<vmem>>
    tpu.wait_dma2 semaphore(%arg10 : memref<!tpu.dma_semaphore, #tpu.memory_space<semaphore_mem>>) src(%dma_wait3A_66 : memref<80x768xf32, #tpu.memory_space<vmem>>) dst(%dma_wait3A_62 : memref<80x768xf32, #tpu.memory_space<hbm>>)
    return
  }
}

</mosaic_0001>

<sc_bundles>
// kernel: kernel.3.cloned.1.call-start
scs
__scs_entry_jumppad:
0x0: {  	(pc) =	sbr.rel $0x88, $3  }
0x1: {  	(tag) =	ssettag $0x0;
	lr =	simm.s32 $0x1  }
0x2: {  	[smem:$0x3F9F] =	sst lr;
	_ =	strace $0xD0000000  }
0x3: {  	_ = 	snop  }
0x4: {  	_ = 	snop  }
0x5: {  	_ = 	snop  }
0x6: {  	_ = 	snop  }
0x7: {  	_ = 	snop  }
__scs_overlays_trampoline_lowered:
0x8: {  	[smem:$0x3FAE] =	sst s0  }
0x9: {  	[smem:$0x3FAF] =	sst s1  }
0xa: {  	[smem:$0x3FB0] =	sst s2  }
0xb: {  	[smem:$0x3FB1] =	sst s3  }
0xc: {  	[smem:$0x3FB2] =	sst s4  }
0xd: {  	[smem:$0x3FB3] =	sst s5  }
0xe: {  	[smem:$0x3FB4] =	sst s6  }
0xf: {  	[smem:$0x3FB5] =	sst s7  }
0x10: {  	[smem:$0x3FB6] =	sst s8  }
0x11: {  	[smem:$0x3FB7] =	sst s9;
	s0 =	simm.s32 @!p0 $0x0  }
0x12: {  	s1 =	sld [smem:$0x3F9D];
	s0 =	simm.s32 @p0 $0x1  }
0x13: {  	[smem:$0x3FB8] =	sst s0;
	s0 =	simm.s32 @!p1 $0x0  }
0x14: {  	s2 =	sld [smem:$0x3F9C];
	s0 =	simm.s32 @p1 $0x1  }
0x15: {  	[smem:$0x3FB9] =	sst s0;
	s0 =	simm.s32 @!p2 $0x0  }
0x16: {  	s3 =	sld [smem:$0x3FDB];
	s0 =	simm.s32 @p2 $0x1  }
0x17: {  	s4 =	simm.s32 $0x1BF5;
	[smem:$0x3FBB] =	sst s0  }
0x18: {  	s0 =	sld [smem:$0x3F9E];
	_ =	swait.ge [sflag:s4], $0x0  }
0x19: {  	s7 =	sld [smem:$0x3F9F]  }
0x1a: {  	s8 =	sadd.s32 $0xFFFFE003, lr  }
0x1b: {  	s9 =	sadd.s32 $0xFFFFFEF7, lr;
	s5 =	simm.s32 $0xFFFFFFFF;
	p2 =	slt.u32 s8, $0xFFFFF086  }
0x1c: {  	p1 =	slt.u32 s9, $0xF7A;
	s5 =	simm.s32 @!p2 $0x0  }
0x1d: {  	s5 =	simm.s32 @p1 $0x1;
	p0 =	seq.s32 s7, s2  }
0x1e: {  	s7 =	smul.u32 @!p0 $0xF7A, s2;
	p2 =	seq.s32 @!p0 s5, $0x0  }
0x1f: {  	s9 =	smul.u32 $0xF7A, s1;
	s8 =	simm.s32 @!p0 $0x1BF5;
	p2 =	por !p2, p0  }
0x20: {  	[sflag:s8] =	ssyncset.s32 @!p0 $0xFFFFF086;
	s6 =	sadd.s32 @!p0 s3, s7;
	s7 =	simm.s32 @!p0 $0x108  }
0x21: {  	s3 =	sadd.s32 s3, s9;
	s6 =	sadd.s32 @!p0 $0x88, s6;
	s7 =	simm.s32 @p2 $0x1082  }
0x22: {  	[simem:s7], [sflag:s8] =	dma.local @!p0 [hbm:s6], $0xF7A  }
0x23: {  	s9 =	sor.u32 $0xD0000000, s2;
	s6 =	simm.s32 $0x108;
	_ =	swait.ge @!p0 [sflag:s8], $0x0  }
0x24: {  	s3 =	sadd.s32 $0x88, s3;
	s6 =	simm.s32 @!p1 $0x1082;
	[sflag:s4] =	ssyncset.s32 $0xFFFFF086  }
0x25: {  	[simem:s6], [sflag:s4] =	dma.local [hbm:s3], $0xF7A  }
0x26: {  	[smem:$0x3F9F] =	sst s1;
	(tag) =	ssettag s2;
	_ =	strace s9  }
0x27: {  	s1 =	sld [smem:$0x3FAF]  }
0x28: {  	s2 =	sld [smem:$0x3FB0]  }
0x29: {  	s4 =	sld [smem:$0x3FB2]  }
0x2a: {  	p0 =	seq.s32 s5, $0x0;
	s5 =	sld [smem:$0x3FB3]  }
0x2b: {  	s6 =	sld [smem:$0x3FB4]  }
0x2c: {  	s7 =	sld [smem:$0x3FB5]  }
0x2d: {  	s3 =	simm.s32 $0x108;
	s8 =	sld [smem:$0x3FB6]  }
0x2e: {  	s3 =	simm.s32 @!p0 $0x1082;
	s9 =	sld [smem:$0x3FB7]  }
0x2f: {  	lr =	sadd.s32 s0, s3;
	s0 =	sld [smem:$0x3FAE]  }
0x30: {  	s3 =	sld [smem:$0x3FB1]  }
0x31: {  	[smem:$0x3FBA] =	sst s10  }
0x32: {  	s10 =	sld [smem:$0x3FB8];
	_ =	sdelay $0x3  }
0x33: {  	p0 =	seq.s32 s10, $0x1;
	s10 =	sld [smem:$0x3FBA];
	_ =	sdelay $0x3  }
0x34: {  	[smem:$0x3FBA] =	sst s10  }
0x35: {  	s10 =	sld [smem:$0x3FB9];
	_ =	sdelay $0x3  }
0x36: {  	p1 =	seq.s32 s10, $0x1;
	s10 =	sld [smem:$0x3FBA];
	_ =	sdelay $0x3  }
0x37: {  	[smem:$0x3FBA] =	sst s10  }
0x38: {  	s10 =	sld [smem:$0x3FBB]  }
0x39: {  	_ = 	snop;
	(pc) =	sbr.ind lr, $3  }
0x3a: {  	_ = 	snop  }
0x3b: {  	_ = 	snop  }
0x3c: {  	p2 =	seq.s32 s10, $0x1;
	s10 =	sld [smem:$0x3FBA]  }
0x3d: {  	_ =	shalt  }
0x3e: {  	_ =	shalt  }
0x3f: {  	_ =	shalt  }
0x40: {  	_ =	shalt  }
0x41: {  	_ =	shalt  }
0x42: {  	_ =	shalt  }
0x43: {  	_ =	shalt  }
0x44: {  	_ =	shalt  }
0x45: {  	_ =	shalt  }
0x46: {  	_ =	shalt  }
0x47: {  	_ =	shalt  }
0x48: {  	_ =	shalt  }
0x49: {  	_ =	shalt  }
0x4a: {  	_ =	shalt  }
0x4b: {  	_ =	shalt  }
0x4c: {  	_ =	shalt  }
0x4d: {  	_ =	shalt  }
0x4e: {  	_ =	shalt  }
0x4f: {  	_ =	shalt  }
0x50: {  	_ =	shalt  }
0x51: {  	_ =	shalt  }
0x52: {  	_ =	shalt  }
0x53: {  	_ =	shalt  }
0x54: {  	_ =	shalt  }
0x55: {  	_ =	shalt  }
0x56: {  	_ =	shalt  }
0x57: {  	_ =	shalt  }
0x58: {  	_ =	shalt  }
0x59: {  	_ =	shalt  }
0x5a: {  	_ =	shalt  }
0x5b: {  	_ =	shalt  }
0x5c: {  	_ =	shalt  }
0x5d: {  	_ =	shalt  }
0x5e: {  	_ =	shalt  }
0x5f: {  	_ =	shalt  }
0x60: {  	_ =	shalt  }
0x61: {  	_ =	shalt  }
0x62: {  	_ =	shalt  }
0x63: {  	_ =	shalt  }
0x64: {  	_ =	shalt  }
0x65: {  	_ =	shalt  }
0x66: {  	_ =	shalt  }
0x67: {  	_ =	shalt  }
0x68: {  	_ =	shalt  }
0x69: {  	_ =	shalt  }
0x6a: {  	_ =	shalt  }
0x6b: {  	_ =	shalt  }
0x6c: {  	_ =	shalt  }
0x6d: {  	_ =	shalt  }
0x6e: {  	_ =	shalt  }
0x6f: {  	_ =	shalt  }
0x70: {  	_ =	shalt  }
0x71: {  	_ =	shalt  }
0x72: {  	_ =	shalt  }
0x73: {  	_ =	shalt  }
0x74: {  	_ =	shalt  }
0x75: {  	_ =	shalt  }
0x76: {  	_ =	shalt  }
0x77: {  	_ =	shalt  }
0x78: {  	_ =	shalt  }
0x79: {  	_ =	shalt  }
0x7a: {  	_ =	shalt  }
0x7b: {  	_ =	shalt  }
0x7c: {  	_ =	shalt  }
0x7d: {  	_ =	shalt  }
0x7e: {  	_ =	shalt  }
0x7f: {  	_ =	shalt  }
0x80: {  	_ =	shalt  }
0x81: {  	_ =	shalt  }
0x82: {  	_ =	shalt  }
0x83: {  	_ =	shalt  }
0x84: {  	_ =	shalt  }
0x85: {  	_ =	shalt  }
0x86: {  	_ =	shalt  }
0x87: {  	_ =	shalt  }
.Lfunc_end0:
.L_simem_size_0:
called_computation_lowered:
.L_overlay_start_0:
0x88: {  	s2 =	sld [smem:$0x3FD9]  }
0x89: {  	s3 =	sld [smem:$0x3FFE];
	_ =	sdelay $0x1  }
0x8a: {  	s1 =	srdreg.scid  }
0x8b: {  	s0 =	sand.u32 $0x1, s1  }
0x8c: {  	s17 =	sshll.u32 s0, $0xA;
	s2 =	sadd.s32 s3, s2  }
0x8d: {  	s2 =	sadd.s32 s2, s17  }
0x8e: {  	[smem:$0x3FC6] =	sst s2  }
0x8f: {  	_ = 	snop  }
0x90: {  	s2 =	sld [smem:$0x3FC8]  }
0x91: {  	s18 =	sld [smem:$0x3FD0];
	(tm) =	ssettm $0x1  }
0x92: {  	s4 =	sld [smem:$0x3FFB];
	_ =	sdelay $0x3  }
0x93: {  	_ =	strace s4  }
0x94: {  	s4 =	sld [smem:$0x3FFC];
	_ =	sdelay $0x3  }
0x95: {  	_ =	strace s4  }
0x96: {  	s4 =	sld [smem:$0x3FFD];
	_ =	sdelay $0x3  }
0x97: {  	_ =	strace s4  }
0x98: {  	_ =	strace $0x8FFFFFFF  }
0x99: {  	s19 =	sld [smem:$0x3FDB];
	_ =	sdelay $0x1  }
0x9a: {  	s5 =	simm.s32 $_scs_section_size  }
0x9b: {  	s6 =	simm.s32 $_size__tile_overlayer_lowered;
	s7 =	simm.s32 $_tile_overlayer_lowered  }
0x9c: {  	s22 =	simm.s32 $0x1BFF;
	s21 =	sshll.u32 s7, $0x1;
	s4 =	sadd.s32 s5, s19  }
0x9d: {  	s8 =	simm.s32 $0x0;
	s20 =	sshll.u32 s6, $0x1;
	s6 =	sadd.s32 s21, s4  }
0x9e: {  	[timem:s8], [sflag:s22] =	dma.local [hbm:s6], s20  }
0x9f: {  	_ =	swait.ge [sflag:s22], s20  }
0xa0: {  	s5 =	ssub.s32 $0x0, s20;
	[sflag:s22] =	ssyncset.done $0x0  }
0xa1: {  	[sflag:s22] =	ssyncadd.s32 s5;
	_ =	sdelay $0x1  }
0xa2: {  	s23 =	simm.s32 $0x1B8B  }
0xa3: {  	_ =	swait.ge [sflag:s23], $0x1  }
0xa4: {  	[sflag:s23] =	ssyncset.done $0x0  }
0xa5: {  	s25 =	simm.s32 $0x1B8E;
	s24 =	sld [smem:$0x3FFE];
	[sflag:s23] =	ssyncadd.s32 $0xFFFFFFFF  }
0xa6: {  	s26 =	simm.s32 $execute0_lowered;
	[smem:$0x3FD2] =	sst s25  }
0xa7: {  	s6 =	sshll.u32 s26, $0x1;
	_ =	strace $0x80000046;
	[dreg:$0x1] =	wrdreg $0xFFFFFFFF  }
0xa8: {  	s28 =	simm.s32 $_size_execute0_lowered;
	s4 =	sadd.s32 s4, s6;
	[dreg:$0x0] =	wrdreg $0x0  }
0xa9: {  	s6 =	sshll.u32 s28, $0x1;
	[dreg:$0x2] =	wrdreg s4  }
0xaa: {  	[dreg:$0x3] =	wrdreg s6  }
0xab: {  	[dreg:$0x4] =	wrdreg $0xC0  }
0xac: {  	_ =	task [dreg:s8], $0x5FFFF  }
0xad: {  	[dreg:$0x1] =	wrdreg $0xFFFFFFFF  }
0xae: {  	[dreg:$0x0] =	wrdreg $0x60  }
0xaf: {  	[dreg:$0x2] =	wrdreg s18  }
0xb0: {  	[dreg:$0x3] =	wrdreg s2  }
0xb1: {  	[dreg:$0x4] =	wrdreg s24  }
0xb2: {  	[dreg:$0x5] =	wrdreg $0x9  }
0xb3: {  	_ =	task.clear_ibuf [dreg:s8], $0x6FFFF;
	_ =	strace $0x90000046  }
0xb4: {  	s29 =	simm.s32 $0x9;
	_ =	strace $0x80000048  }
0xb5: {  	_ =	swait.ge [sflag:s29], $0x1  }
0xb6: {  	[sflag:s29] =	ssyncadd.s32 $0xFFFFFFFF  }
0xb7: {  	_ =	strace $0x90000048  }
0xb8: {  	_ =	sfence  }
0xb9: {  	s30 =	sld [smem:$0x0];
	_ =	sdelay $0x2  }
0xba: {  	s31 =	sshll.u32 s1, $0xD;
	s1 =	sshrl.u32 s1, $0x2  }
0xbb: {  	s3 =	sand.u32 $0x4000, s31;
	s1 =	sadd.s32 s1, s30  }
0xbc: {  	s0 =	sor.u32 s3, s0;
	s1 =	sshll.u32 s1, $0x11  }
0xbd: {  	s0 =	sor.u32 s1, s0  }
0xbe: {  	s0 =	sadd.s32 $0x8F2B, s0  }
0xbf: {  	[sflag:s0] =	ssyncadd.remote.s32 $0x1  }
0xc0: {  	_ =	sfence.sel $0xFFFF  }
0xc1: {  	[dreg:$0x0] =	wrdreg $0xFFFFFFFF;
	(pc) =	sbr.abs _section_cstart, $3  }
0xc2: {  	[dreg:$0x1] =	wrdreg $0xFFFFFFFF  }
0xc3: {  	_ =	task.clear_ibuf [dreg:s8], $0x2FFFF;
	_ =	strace $0x9FFFFFFF  }
0xc4: {  	(tm) =	ssettm $0x7FFFFFFF  }
0xc5: {  	_ =	shalt  }
tec
execute0_lowered:
.L_overlay_start_1:
0x0: {  	(tag) =	ssettag $0x1  }
0x1: {  	s0 =	rddreg [dreg:$0x0]  }
0x2: {  	s2 =	rddreg [dreg:$0x1];
	s5 =	stileid.u32  }
0x3: {  	s1 =	srdreg.scid;
	s4 =	rddreg [dreg:$0x2]  }
0x4: {  	s10 =	simm.s32 $0xA00;
	s15 =	simm.s32 $0xFA00;
	s30 =	simm.s32 $0x16A00  }
0x5: {  	s31 =	simm.s32 $0x17200;
	s9 =	simm.s32 $0x19A00;
	s11 =	simm.s32 $0x1A200  }
0x6: {  	s12 =	simm.s32 $0x1AA00;
	s13 =	simm.s32 $0x1B200;
	s14 =	simm.s32 $0x1BA00  }
0x7: {  	s16 =	simm.s32 $0x1C200;
	s17 =	simm.s32 $0x1CA00;
	s18 =	simm.s32 $0x1D200  }
0x8: {  	s19 =	simm.s32 $0x1DA00;
	s20 =	simm.s32 $0x1E200;
	s21 =	simm.s32 $0x1  }
0x9: {  	s22 =	simm.s32 $0x2;
	s23 =	simm.s32 $0x3;
	s24 =	simm.s32 $0x4  }
0xa: {  	s1 =	sand.u32 $0x1, s1;
	s3 =	sshll.u32 s5, $0x1;
	s5 =	smul.u32 $0x78000, s5  }
0xb: {  	s6 =	sor.u32 s1, s3;
	s7 =	ssub.s32 $0x2, s1;
	s1 =	smul.u32 $0x3C000, s1  }
0xc: {  	s26 =	simm.s32 $0x0;
	s3 =	simm.s32 $0x0;
	s6 =	smul.u32 $0x140, s6  }
0xd: {  	[smem:$0x7FF] =	sst s3;
	s8 =	sshrl.u32 s7, $0x1;
	s4 =	sadd.s32 s5, s4  }
.Ltmp0:
0xe: {  	s5 =	sadd.s32 $0x100, s2;
	_ =	strace $0x80000047;
	(pc) =	sbr.rel .LBB2_1-.Ltmp0, $4  }
0xf: {  	s7 =	ssub.s32 s7, s8;
	s28 =	sadd.s32 s1, s4;
	s1 =	simm.s32 $0x17A00  }
0x10: {  	v2 =	vlaneseq.u32;
	s4 =	simm.s32 $0x18A00;
	s0 =	sadd.s32 s0, s6;
	s6 =	sadd.s32 $0x200, s2  }
0x11: {  	vm0 =	vmmov $0xffff;
	v1 =	vshrl.u32 v2, $0x3;
	s29 =	smax.u32 s7, $0x1;
	s8 =	sadd.s32 $0x400, s28;
	[dreg:$0x4] =	wrdreg s0  }
0x12: {  	v0 =	vand.u32 $0x7, v2;
	v2 =	vor.u32 $0x8, v2;
	v1 =	vmul.u32 $0x8, v1;
	s7 =	simm.s32 $0x19200;
	[dreg:$0x5] =	wrdreg s29;
	s0 =	simm.s32 $0x18200  }
.LBB2_7:
0x13: {  	_ =	swait.ge [sflag:s23], $0xF000  }
0x14: {  	[sflag:s23] =	ssyncset.done $0x0  }
0x15: {  	[sflag:s23] =	ssyncadd.s32 $0xFFFF1000  }
0x16: {  	_ =	swait.ge [sflag:s24], $0xF000  }
0x17: {  	s26 =	rddreg [dreg:$0x6]  }
0x18: {  	s25 =	rddreg [dreg:$0x5];
	s26 =	sadd.s32 $0x1, s26  }
0x19: {  	p0 =	sne.s32 s26, s25  }
.Ltmp1:
0x1a: {  	_ = 	snop;
	(pc) =	sbr.rel @!p0 .LBB2_8-.Ltmp1, $3  }
0x1b: {  	_ =	sdelay $0x1  }
0x1c: {  	[sflag:s24] =	ssyncset.done $0x0  }
0x1d: {  	[sflag:s24] =	ssyncadd.s32 $0xFFFF1000  }
.LBB2_1:
0x1e: {  	[dreg:$0x6] =	wrdreg s26  }
0x1f: {  	s25 =	rddreg [dreg:$0x4];
	s29 =	simm.s32 $0x5  }
0x20: {  	[tilespmem:s3], [sflag:$0x5] =	stream.linear.gather [hbm4b:s25+s3], $0xA00, $0x38;
	[tilespmem:$0x1EA00] =	vst v63  }
0x21: {  	_ =	swait.ge [sflag:s29], $0xA00  }
0x22: {  	[sflag:s29] =	ssyncset.done $0x0  }
0x23: {  	[sflag:s29] =	ssyncadd.s32 $0xFFFFF600  }
0x24: {  	v3 =	vld [tilespmem:$0x0];
	_ =	sdelay $0x4  }
0x25: {  	v4 =	vshrl.u32 v3, $0x3  }
0x26: {  	v4 =	vmul.u32 $0x30, v4  }
0x27: {  	v3 =	vand.u32 $0x7, v3  }
0x28: {  	v3 =	vor.u32 v3, v4  }
0x29: {  	v4 =	vperm.xlane v3, v0;
	_ =	sdelay $0x1  }
0x2a: {  	v4 =	vadd.s32 v1, v4;
	_ =	sdelay $0x3  }
0x2b: {  	v3 =	vperm.xlane v3, v2  }
0x2c: {  	[tilespmem:s10], [sflag:$0x1] =	stream.indirect_vreg.gather [hbm4b:s2+s3], $0x80, v4, vm0, $0xb8;
	[tilespmem:$0x1EA00] =	vst v63  }
0x2d: {  	s26 =	simm.s32 $0x1200;
	v3 =	vadd.s32 v1, v3  }
0x2e: {  	[tilespmem:s26], [sflag:$0x1] =	stream.indirect_vreg.gather [hbm4b:s5+s3], $0x80, v4, vm0, $0xb8;
	[tilespmem:$0x1EA00] =	vst v63  }
0x2f: {  	s28 =	simm.s32 $0x1A00  }
0x30: {  	[tilespmem:s28], [sflag:$0x1] =	stream.indirect_vreg.gather [hbm4b:s6+s3], $0x80, v4, vm0, $0xb8;
	[tilespmem:$0x1EA00] =	vst v63  }
0x31: {  	s29 =	simm.s32 $0x2200  }
0x32: {  	[tilespmem:s29], [sflag:$0x1] =	stream.indirect_vreg.gather [hbm4b:s2+s3], $0x80, v3, vm0, $0xb8;
	[tilespmem:$0x1EA00] =	vst v63  }
0x33: {  	s26 =	simm.s32 $0x2A00  }
0x34: {  	[tilespmem:s26], [sflag:$0x1] =	stream.indirect_vreg.gather [hbm4b:s5+s3], $0x80, v3, vm0, $0xb8;
	[tilespmem:$0x1EA00] =	vst v63  }
0x35: {  	s28 =	simm.s32 $0x3200  }
0x36: {  	[tilespmem:s28], [sflag:$0x1] =	stream.indirect_vreg.gather [hbm4b:s6+s3], $0x80, v3, vm0, $0xb8;
	[tilespmem:$0x1EA00] =	vst v63  }
0x37: {  	v3 =	vld [tilespmem:$0x10];
	_ =	sdelay $0x4  }
0x38: {  	v55 =	vshrl.u32 v3, $0x3  }
0x39: {  	v4 =	vmul.u32 $0x30, v55  }
0x3a: {  	v3 =	vand.u32 $0x7, v3  }
0x3b: {  	v3 =	vor.u32 v3, v4  }
0x3c: {  	v4 =	vperm.xlane v3, v0;
	_ =	sdelay $0x1  }
0x3d: {  	v4 =	vadd.s32 v1, v4;
	_ =	sdelay $0x3  }
0x3e: {  	s29 =	simm.s32 $0x3A00;
	v3 =	vperm.xlane v3, v2  }
0x3f: {  	[tilespmem:s29], [sflag:$0x1] =	stream.indirect_vreg.gather [hbm4b:s2+s3], $0x80, v4, vm0, $0xb8;
	[tilespmem:$0x1EA00] =	vst v63  }
0x40: {  	s26 =	simm.s32 $0x4200;
	v3 =	vadd.s32 v1, v3  }
0x41: {  	[tilespmem:s26], [sflag:$0x1] =	stream.indirect_vreg.gather [hbm4b:s5+s3], $0x80, v4, vm0, $0xb8;
	[tilespmem:$0x1EA00] =	vst v63  }
0x42: {  	s28 =	simm.s32 $0x4A00  }
0x43: {  	[tilespmem:s28], [sflag:$0x1] =	stream.indirect_vreg.gather [hbm4b:s6+s3], $0x80, v4, vm0, $0xb8;
	[tilespmem:$0x1EA00] =	vst v63  }
0x44: {  	s29 =	simm.s32 $0x5200  }
0x45: {  	[tilespmem:s29], [sflag:$0x1] =	stream.indirect_vreg.gather [hbm4b:s2+s3], $0x80, v3, vm0, $0xb8;
	[tilespmem:$0x1EA00] =	vst v63  }
0x46: {  	s26 =	simm.s32 $0x5A00  }
0x47: {  	[tilespmem:s26], [sflag:$0x1] =	stream.indirect_vreg.gather [hbm4b:s5+s3], $0x80, v3, vm0, $0xb8;
	[tilespmem:$0x1EA00] =	vst v63  }
0x48: {  	s28 =	simm.s32 $0x6200  }
0x49: {  	[tilespmem:s28], [sflag:$0x1] =	stream.indirect_vreg.gather [hbm4b:s6+s3], $0x80, v3, vm0, $0xb8;
	[tilespmem:$0x1EA00] =	vst v63  }
0x4a: {  	v3 =	vld [tilespmem:$0x20];
	_ =	sdelay $0x4  }
0x4b: {  	v56 =	vshrl.u32 v3, $0x3  }
0x4c: {  	v4 =	vmul.u32 $0x30, v56  }
0x4d: {  	v3 =	vand.u32 $0x7, v3  }
0x4e: {  	v3 =	vor.u32 v3, v4  }
0x4f: {  	v4 =	vperm.xlane v3, v0;
	_ =	sdelay $0x1  }
0x50: {  	v4 =	vadd.s32 v1, v4;
	_ =	sdelay $0x3  }
0x51: {  	s29 =	simm.s32 $0x6A00;
	v3 =	vperm.xlane v3, v2  }
0x52: {  	[tilespmem:s29], [sflag:$0x1] =	stream.indirect_vreg.gather [hbm4b:s2+s3], $0x80, v4, vm0, $0xb8;
	[tilespmem:$0x1EA00] =	vst v63  }
0x53: {  	s26 =	simm.s32 $0x7200;
	v3 =	vadd.s32 v1, v3  }
0x54: {  	[tilespmem:s26], [sflag:$0x1] =	stream.indirect_vreg.gather [hbm4b:s5+s3], $0x80, v4, vm0, $0xb8;
	[tilespmem:$0x1EA00] =	vst v63  }
0x55: {  	s28 =	simm.s32 $0x7A00  }
0x56: {  	[tilespmem:s28], [sflag:$0x1] =	stream.indirect_vreg.gather [hbm4b:s6+s3], $0x80, v4, vm0, $0xb8;
	[tilespmem:$0x1EA00] =	vst v63  }
0x57: {  	s29 =	simm.s32 $0x8200  }
0x58: {  	[tilespmem:s29], [sflag:$0x1] =	stream.indirect_vreg.gather [hbm4b:s2+s3], $0x80, v3, vm0, $0xb8;
	[tilespmem:$0x1EA00] =	vst v63  }
0x59: {  	s26 =	simm.s32 $0x8A00  }
0x5a: {  	[tilespmem:s26], [sflag:$0x1] =	stream.indirect_vreg.gather [hbm4b:s5+s3], $0x80, v3, vm0, $0xb8;
	[tilespmem:$0x1EA00] =	vst v63  }
0x5b: {  	s28 =	simm.s32 $0x9200  }
0x5c: {  	[tilespmem:s28], [sflag:$0x1] =	stream.indirect_vreg.gather [hbm4b:s6+s3], $0x80, v3, vm0, $0xb8;
	[tilespmem:$0x1EA00] =	vst v63  }
0x5d: {  	v3 =	vld [tilespmem:$0x30];
	_ =	sdelay $0x4  }
0x5e: {  	v57 =	vshrl.u32 v3, $0x3  }
0x5f: {  	v4 =	vmul.u32 $0x30, v57  }
0x60: {  	v3 =	vand.u32 $0x7, v3  }
0x61: {  	v3 =	vor.u32 v3, v4  }
0x62: {  	v4 =	vperm.xlane v3, v0;
	_ =	sdelay $0x1  }
0x63: {  	v4 =	vadd.s32 v1, v4;
	_ =	sdelay $0x3  }
0x64: {  	s29 =	simm.s32 $0x9A00;
	v3 =	vperm.xlane v3, v2  }
0x65: {  	[tilespmem:s29], [sflag:$0x1] =	stream.indirect_vreg.gather [hbm4b:s2+s3], $0x80, v4, vm0, $0xb8;
	[tilespmem:$0x1EA00] =	vst v63  }
0x66: {  	s26 =	simm.s32 $0xA200;
	v3 =	vadd.s32 v1, v3  }
0x67: {  	[tilespmem:s26], [sflag:$0x1] =	stream.indirect_vreg.gather [hbm4b:s5+s3], $0x80, v4, vm0, $0xb8;
	[tilespmem:$0x1EA00] =	vst v63  }
0x68: {  	s28 =	simm.s32 $0xAA00  }
0x69: {  	[tilespmem:s28], [sflag:$0x1] =	stream.indirect_vreg.gather [hbm4b:s6+s3], $0x80, v4, vm0, $0xb8;
	[tilespmem:$0x1EA00] =	vst v63  }
0x6a: {  	s29 =	simm.s32 $0xB200  }
0x6b: {  	[tilespmem:s29], [sflag:$0x1] =	stream.indirect_vreg.gather [hbm4b:s2+s3], $0x80, v3, vm0, $0xb8;
	[tilespmem:$0x1EA00] =	vst v63  }
0x6c: {  	s26 =	simm.s32 $0xBA00  }
0x6d: {  	[tilespmem:s26], [sflag:$0x1] =	stream.indirect_vreg.gather [hbm4b:s5+s3], $0x80, v3, vm0, $0xb8;
	[tilespmem:$0x1EA00] =	vst v63  }
0x6e: {  	s28 =	simm.s32 $0xC200  }
0x6f: {  	[tilespmem:s28], [sflag:$0x1] =	stream.indirect_vreg.gather [hbm4b:s6+s3], $0x80, v3, vm0, $0xb8;
	[tilespmem:$0x1EA00] =	vst v63  }
0x70: {  	v3 =	vld [tilespmem:$0x40];
	_ =	sdelay $0x4  }
0x71: {  	v58 =	vshrl.u32 v3, $0x3  }
0x72: {  	v4 =	vmul.u32 $0x30, v58  }
0x73: {  	v3 =	vand.u32 $0x7, v3  }
0x74: {  	v3 =	vor.u32 v3, v4  }
0x75: {  	v4 =	vperm.xlane v3, v0;
	_ =	sdelay $0x1  }
0x76: {  	v4 =	vadd.s32 v1, v4;
	_ =	sdelay $0x3  }
0x77: {  	s29 =	simm.s32 $0xCA00;
	v3 =	vperm.xlane v3, v2  }
0x78: {  	[tilespmem:s29], [sflag:$0x1] =	stream.indirect_vreg.gather [hbm4b:s2+s3], $0x80, v4, vm0, $0xb8;
	[tilespmem:$0x1EA00] =	vst v63  }
0x79: {  	s26 =	simm.s32 $0xD200;
	v3 =	vadd.s32 v1, v3  }
0x7a: {  	[tilespmem:s26], [sflag:$0x1] =	stream.indirect_vreg.gather [hbm4b:s5+s3], $0x80, v4, vm0, $0xb8;
	[tilespmem:$0x1EA00] =	vst v63  }
0x7b: {  	s28 =	simm.s32 $0xDA00  }
0x7c: {  	[tilespmem:s28], [sflag:$0x1] =	stream.indirect_vreg.gather [hbm4b:s6+s3], $0x80, v4, vm0, $0xb8;
	[tilespmem:$0x1EA00] =	vst v63  }
0x7d: {  	s29 =	simm.s32 $0xE200  }
0x7e: {  	[tilespmem:s29], [sflag:$0x1] =	stream.indirect_vreg.gather [hbm4b:s2+s3], $0x80, v3, vm0, $0xb8;
	[tilespmem:$0x1EA00] =	vst v63  }
0x7f: {  	s26 =	simm.s32 $0xEA00  }
0x80: {  	[tilespmem:s26], [sflag:$0x1] =	stream.indirect_vreg.gather [hbm4b:s5+s3], $0x80, v3, vm0, $0xb8;
	[tilespmem:$0x1EA00] =	vst v63  }
0x81: {  	s28 =	simm.s32 $0xF200  }
0x82: {  	[tilespmem:s28], [sflag:$0x1] =	stream.indirect_vreg.gather [hbm4b:s6+s3], $0x80, v3, vm0, $0xb8;
	[tilespmem:$0x1EA00] =	vst v63  }
0x83: {  	v3 =	vld [tilespmem:$0x50];
	_ =	sdelay $0x4  }
0x84: {  	v59 =	vshrl.u32 v3, $0x3  }
0x85: {  	v4 =	vmul.u32 $0x30, v59  }
0x86: {  	v3 =	vand.u32 $0x7, v3  }
0x87: {  	v3 =	vor.u32 v3, v4  }
0x88: {  	v4 =	vperm.xlane v3, v0;
	_ =	sdelay $0x1  }
0x89: {  	v4 =	vadd.s32 v1, v4;
	_ =	sdelay $0x3  }
0x8a: {  	v3 =	vperm.xlane v3, v2  }
0x8b: {  	[tilespmem:s15], [sflag:$0x2] =	stream.indirect_vreg.gather [hbm4b:s2+s3], $0x80, v4, vm0, $0xb8;
	[tilespmem:$0x1EA00] =	vst v63  }
0x8c: {  	s29 =	simm.s32 $0x10200;
	v3 =	vadd.s32 v1, v3  }
0x8d: {  	[tilespmem:s29], [sflag:$0x2] =	stream.indirect_vreg.gather [hbm4b:s5+s3], $0x80, v4, vm0, $0xb8;
	[tilespmem:$0x1EA00] =	vst v63  }
0x8e: {  	s26 =	simm.s32 $0x10A00  }
0x8f: {  	[tilespmem:s26], [sflag:$0x2] =	stream.indirect_vreg.gather [hbm4b:s6+s3], $0x80, v4, vm0, $0xb8;
	[tilespmem:$0x1EA00] =	vst v63  }
0x90: {  	s28 =	simm.s32 $0x11200  }
0x91: {  	[tilespmem:s28], [sflag:$0x2] =	stream.indirect_vreg.gather [hbm4b:s2+s3], $0x80, v3, vm0, $0xb8;
	[tilespmem:$0x1EA00] =	vst v63  }
0x92: {  	s29 =	simm.s32 $0x11A00  }
0x93: {  	[tilespmem:s29], [sflag:$0x2] =	stream.indirect_vreg.gather [hbm4b:s5+s3], $0x80, v3, vm0, $0xb8;
	[tilespmem:$0x1EA00] =	vst v63  }
0x94: {  	s26 =	simm.s32 $0x12200  }
0x95: {  	[tilespmem:s26], [sflag:$0x2] =	stream.indirect_vreg.gather [hbm4b:s6+s3], $0x80, v3, vm0, $0xb8;
	[tilespmem:$0x1EA00] =	vst v63  }
0x96: {  	v3 =	vld [tilespmem:$0x60];
	_ =	sdelay $0x4  }
0x97: {  	v60 =	vshrl.u32 v3, $0x3  }
0x98: {  	v4 =	vmul.u32 $0x30, v60  }
0x99: {  	v3 =	vand.u32 $0x7, v3  }
0x9a: {  	v3 =	vor.u32 v3, v4  }
0x9b: {  	v4 =	vperm.xlane v3, v0;
	_ =	sdelay $0x1  }
0x9c: {  	v4 =	vadd.s32 v1, v4;
	_ =	sdelay $0x3  }
0x9d: {  	s28 =	simm.s32 $0x12A00;
	v3 =	vperm.xlane v3, v2  }
0x9e: {  	[tilespmem:s28], [sflag:$0x2] =	stream.indirect_vreg.gather [hbm4b:s2+s3], $0x80, v4, vm0, $0xb8;
	[tilespmem:$0x1EA00] =	vst v63  }
0x9f: {  	s29 =	simm.s32 $0x13200;
	v3 =	vadd.s32 v1, v3  }
0xa0: {  	[tilespmem:s29], [sflag:$0x2] =	stream.indirect_vreg.gather [hbm4b:s5+s3], $0x80, v4, vm0, $0xb8;
	[tilespmem:$0x1EA00] =	vst v63  }
0xa1: {  	s26 =	simm.s32 $0x13A00  }
0xa2: {  	[tilespmem:s26], [sflag:$0x2] =	stream.indirect_vreg.gather [hbm4b:s6+s3], $0x80, v4, vm0, $0xb8;
	[tilespmem:$0x1EA00] =	vst v63  }
0xa3: {  	s28 =	simm.s32 $0x14200  }
0xa4: {  	[tilespmem:s28], [sflag:$0x2] =	stream.indirect_vreg.gather [hbm4b:s2+s3], $0x80, v3, vm0, $0xb8;
	[tilespmem:$0x1EA00] =	vst v63  }
0xa5: {  	s29 =	simm.s32 $0x14A00  }
0xa6: {  	[tilespmem:s29], [sflag:$0x2] =	stream.indirect_vreg.gather [hbm4b:s5+s3], $0x80, v3, vm0, $0xb8;
	[tilespmem:$0x1EA00] =	vst v63  }
0xa7: {  	s26 =	simm.s32 $0x15200  }
0xa8: {  	[tilespmem:s26], [sflag:$0x2] =	stream.indirect_vreg.gather [hbm4b:s6+s3], $0x80, v3, vm0, $0xb8;
	[tilespmem:$0x1EA00] =	vst v63  }
0xa9: {  	v3 =	vld [tilespmem:$0x70];
	_ =	sdelay $0x4  }
0xaa: {  	v61 =	vshrl.u32 v3, $0x3  }
0xab: {  	v4 =	vmul.u32 $0x30, v61  }
0xac: {  	v3 =	vand.u32 $0x7, v3  }
0xad: {  	v3 =	vor.u32 v3, v4  }
0xae: {  	v4 =	vperm.xlane v3, v0;
	_ =	sdelay $0x1  }
0xaf: {  	v4 =	vadd.s32 v1, v4;
	_ =	sdelay $0x3  }
0xb0: {  	s28 =	simm.s32 $0x15A00;
	v3 =	vperm.xlane v3, v2  }
0xb1: {  	[tilespmem:s28], [sflag:$0x2] =	stream.indirect_vreg.gather [hbm4b:s2+s3], $0x80, v4, vm0, $0xb8;
	[tilespmem:$0x1EA00] =	vst v63  }
0xb2: {  	s29 =	simm.s32 $0x16200;
	v3 =	vadd.s32 v1, v3  }
0xb3: {  	[tilespmem:s29], [sflag:$0x2] =	stream.indirect_vreg.gather [hbm4b:s5+s3], $0x80, v4, vm0, $0xb8;
	[tilespmem:$0x1EA00] =	vst v63  }
0xb4: {  	_ = 	snop  }
0xb5: {  	[tilespmem:s30], [sflag:$0x2] =	stream.indirect_vreg.gather [hbm4b:s6+s3], $0x80, v4, vm0, $0xb8;
	[tilespmem:$0x1EA00] =	vst v63  }
0xb6: {  	_ = 	snop  }
0xb7: {  	[tilespmem:s31], [sflag:$0x2] =	stream.indirect_vreg.gather [hbm4b:s2+s3], $0x80, v3, vm0, $0xb8;
	[tilespmem:$0x1EA00] =	vst v63  }
0xb8: {  	_ = 	snop  }
0xb9: {  	[tilespmem:s1], [sflag:$0x2] =	stream.indirect_vreg.gather [hbm4b:s5+s3], $0x80, v3, vm0, $0xb8;
	[tilespmem:$0x1EA00] =	vst v63  }
0xba: {  	_ = 	snop  }
0xbb: {  	[tilespmem:s0], [sflag:$0x2] =	stream.indirect_vreg.gather [hbm4b:s6+s3], $0x80, v3, vm0, $0xb8;
	[tilespmem:$0x1EA00] =	vst v63  }
0xbc: {  	v3 =	vld [tilespmem:$0x80];
	_ =	sdelay $0x4  }
0xbd: {  	v62 =	vshrl.u32 v3, $0x3  }
0xbe: {  	v4 =	vmul.u32 $0x30, v62  }
0xbf: {  	v3 =	vand.u32 $0x7, v3  }
0xc0: {  	v3 =	vor.u32 v3, v4  }
0xc1: {  	v4 =	vperm.xlane v3, v0;
	_ =	sdelay $0x1  }
0xc2: {  	v4 =	vadd.s32 v1, v4;
	_ =	sdelay $0x3  }
0xc3: {  	v3 =	vperm.xlane v3, v2  }
0xc4: {  	[tilespmem:s4], [sflag:$0x2] =	stream.indirect_vreg.gather [hbm4b:s2+s3], $0x80, v4, vm0, $0xb8;
	[tilespmem:$0x1EA00] =	vst v63  }
0xc5: {  	v3 =	vadd.s32 v1, v3  }
0xc6: {  	[tilespmem:s7], [sflag:$0x2] =	stream.indirect_vreg.gather [hbm4b:s5+s3], $0x80, v4, vm0, $0xb8;
	[tilespmem:$0x1EA00] =	vst v63  }
0xc7: {  	_ = 	snop  }
0xc8: {  	[tilespmem:s9], [sflag:$0x2] =	stream.indirect_vreg.gather [hbm4b:s6+s3], $0x80, v4, vm0, $0xb8;
	[tilespmem:$0x1EA00] =	vst v63  }
0xc9: {  	_ = 	snop  }
0xca: {  	[tilespmem:s11], [sflag:$0x2] =	stream.indirect_vreg.gather [hbm4b:s2+s3], $0x80, v3, vm0, $0xb8;
	[tilespmem:$0x1EA00] =	vst v63  }
0xcb: {  	_ = 	snop  }
0xcc: {  	[tilespmem:s12], [sflag:$0x2] =	stream.indirect_vreg.gather [hbm4b:s5+s3], $0x80, v3, vm0, $0xb8;
	[tilespmem:$0x1EA00] =	vst v63  }
0xcd: {  	_ = 	snop  }
0xce: {  	[tilespmem:s13], [sflag:$0x2] =	stream.indirect_vreg.gather [hbm4b:s6+s3], $0x80, v3, vm0, $0xb8;
	[tilespmem:$0x1EA00] =	vst v63  }
0xcf: {  	v3 =	vld [tilespmem:$0x90];
	_ =	sdelay $0x4  }
0xd0: {  	v63 =	vshrl.u32 v3, $0x3  }
0xd1: {  	v4 =	vmul.u32 $0x30, v63  }
0xd2: {  	v3 =	vand.u32 $0x7, v3  }
0xd3: {  	v3 =	vor.u32 v3, v4  }
0xd4: {  	v4 =	vperm.xlane v3, v0;
	_ =	sdelay $0x1  }
0xd5: {  	v4 =	vadd.s32 v1, v4;
	_ =	sdelay $0x3  }
0xd6: {  	v3 =	vperm.xlane v3, v2  }
0xd7: {  	[tilespmem:s14], [sflag:$0x2] =	stream.indirect_vreg.gather [hbm4b:s2+s3], $0x80, v4, vm0, $0xb8;
	[tilespmem:$0x1EA00] =	vst v63  }
0xd8: {  	v3 =	vadd.s32 v1, v3  }
0xd9: {  	[tilespmem:s16], [sflag:$0x2] =	stream.indirect_vreg.gather [hbm4b:s5+s3], $0x80, v4, vm0, $0xb8;
	[tilespmem:$0x1EA00] =	vst v63  }
0xda: {  	_ = 	snop  }
0xdb: {  	[tilespmem:s17], [sflag:$0x2] =	stream.indirect_vreg.gather [hbm4b:s6+s3], $0x80, v4, vm0, $0xb8;
	[tilespmem:$0x1EA00] =	vst v63  }
0xdc: {  	_ = 	snop  }
0xdd: {  	[tilespmem:s18], [sflag:$0x2] =	stream.indirect_vreg.gather [hbm4b:s2+s3], $0x80, v3, vm0, $0xb8;
	[tilespmem:$0x1EA00] =	vst v63  }
.Ltmp2:
0xde: {  	_ = 	snop;
	(pc) =	sbr.rel .LBB2_2-.Ltmp2, $4  }
0xdf: {  	_ = 	snop  }
0xe0: {  	[tilespmem:s19], [sflag:$0x2] =	stream.indirect_vreg.gather [hbm4b:s5+s3], $0x80, v3, vm0, $0xb8;
	[tilespmem:$0x1EA00] =	vst v63  }
0xe1: {  	s25 =	simm.s32 $0x70;
	s26 =	simm.s32 $0x0  }
0xe2: {  	[tilespmem:s20], [sflag:$0x2] =	stream.indirect_vreg.gather [hbm4b:s6+s3], $0x80, v3, vm0, $0xb8;
	[tilespmem:$0x1EA00] =	vst v63  }
.LBB2_6:
0xe3: {  	s26 =	sadd.s32 $0x3C00, s26  }
0xe4: {  	p0 =	sne.s32 s26, $0x3C000  }
.Ltmp3:
0xe5: {  	_ = 	snop;
	(pc) =	sbr.rel @!p0 .LBB2_7-.Ltmp3, $4  }
0xe6: {  	_ =	swait.ge [sflag:s22], $0xF000  }
0xe7: {  	[sflag:s22] =	ssyncset.done $0x0  }
0xe8: {  	s28 =	sadd.s32 $0x1E00, s28;
	s25 =	sadd.s32 $0xA0, s25;
	[sflag:s22] =	ssyncadd.s32 $0xFFFF1000  }
0xe9: {  	[hbm4b:s28+s3] =	stream.linear.scatter [tilespmem:s15], [sflag:$0x4], $0xF000, $0x38;
	[tilespmem:$0x1EA00] =	vst v63  }
.LBB2_2:
0xea: {  	p0 =	seq.s32 s26, $0x0  }
.Ltmp4:
0xeb: {  	_ = 	snop;
	(pc) =	sbr.rel @p0 .LBB2_4-.Ltmp4, $1  }
0xec: {  	_ =	sdelay $0x3  }
0xed: {  	_ =	swait.ge [sflag:s24], $0xF000  }
0xee: {  	[sflag:s24] =	ssyncset.done $0x0  }
0xef: {  	[sflag:s24] =	ssyncadd.s32 $0xFFFF1000  }
0xf0: {  	v3 =	vld [tilespmem:s25+$0xFFFFFFE0];
	_ =	sdelay $0x4  }
0xf1: {  	v4 =	vshrl.u32 v3, $0x3  }
0xf2: {  	v4 =	vmul.u32 $0x30, v4  }
0xf3: {  	v3 =	vand.u32 $0x7, v3  }
0xf4: {  	v3 =	vor.u32 v3, v4  }
0xf5: {  	v4 =	vperm.xlane v3, v0;
	_ =	sdelay $0x1  }
0xf6: {  	v4 =	vadd.s32 v1, v4;
	_ =	sdelay $0x3  }
0xf7: {  	v3 =	vperm.xlane v3, v2  }
0xf8: {  	[tilespmem:s15], [sflag:$0x2] =	stream.indirect_vreg.gather [hbm4b:s2+s3], $0x80, v4, vm0, $0xb8;
	[tilespmem:$0x1EA00] =	vst v63  }
0xf9: {  	s28 =	simm.s32 $0x10200;
	v3 =	vadd.s32 v1, v3  }
0xfa: {  	[tilespmem:s28], [sflag:$0x2] =	stream.indirect_vreg.gather [hbm4b:s5+s3], $0x80, v4, vm0, $0xb8;
	[tilespmem:$0x1EA00] =	vst v63  }
0xfb: {  	s29 =	simm.s32 $0x10A00  }
0xfc: {  	[tilespmem:s29], [sflag:$0x2] =	stream.indirect_vreg.gather [hbm4b:s6+s3], $0x80, v4, vm0, $0xb8;
	[tilespmem:$0x1EA00] =	vst v63  }
0xfd: {  	s29 =	simm.s32 $0x11200  }
0xfe: {  	[tilespmem:s29], [sflag:$0x2] =	stream.indirect_vreg.gather [hbm4b:s2+s3], $0x80, v3, vm0, $0xb8;
	[tilespmem:$0x1EA00] =	vst v63  }
0xff: {  	s29 =	simm.s32 $0x11A00  }
0x100: {  	[tilespmem:s29], [sflag:$0x2] =	stream.indirect_vreg.gather [hbm4b:s5+s3], $0x80, v3, vm0, $0xb8;
	[tilespmem:$0x1EA00] =	vst v63  }
0x101: {  	s29 =	simm.s32 $0x12200  }
0x102: {  	[tilespmem:s29], [sflag:$0x2] =	stream.indirect_vreg.gather [hbm4b:s6+s3], $0x80, v3, vm0, $0xb8;
	[tilespmem:$0x1EA00] =	vst v63  }
0x103: {  	v3 =	vld [tilespmem:s25+$0xFFFFFFF0];
	_ =	sdelay $0x4  }
0x104: {  	v60 =	vshrl.u32 v3, $0x3  }
0x105: {  	v4 =	vmul.u32 $0x30, v60  }
0x106: {  	v3 =	vand.u32 $0x7, v3  }
0x107: {  	v3 =	vor.u32 v3, v4  }
0x108: {  	v4 =	vperm.xlane v3, v0;
	_ =	sdelay $0x1  }
0x109: {  	v4 =	vadd.s32 v1, v4;
	_ =	sdelay $0x3  }
0x10a: {  	s29 =	simm.s32 $0x12A00;
	v3 =	vperm.xlane v3, v2  }
0x10b: {  	[tilespmem:s29], [sflag:$0x2] =	stream.indirect_vreg.gather [hbm4b:s2+s3], $0x80, v4, vm0, $0xb8;
	[tilespmem:$0x1EA00] =	vst v63  }
0x10c: {  	v3 =	vadd.s32 v1, v3;
	s29 =	simm.s32 $0x13200  }
0x10d: {  	[tilespmem:s29], [sflag:$0x2] =	stream.indirect_vreg.gather [hbm4b:s5+s3], $0x80, v4, vm0, $0xb8;
	[tilespmem:$0x1EA00] =	vst v63  }
0x10e: {  	s29 =	simm.s32 $0x13A00  }
0x10f: {  	[tilespmem:s29], [sflag:$0x2] =	stream.indirect_vreg.gather [hbm4b:s6+s3], $0x80, v4, vm0, $0xb8;
	[tilespmem:$0x1EA00] =	vst v63  }
0x110: {  	s29 =	simm.s32 $0x14200  }
0x111: {  	[tilespmem:s29], [sflag:$0x2] =	stream.indirect_vreg.gather [hbm4b:s2+s3], $0x80, v3, vm0, $0xb8;
	[tilespmem:$0x1EA00] =	vst v63  }
0x112: {  	s29 =	simm.s32 $0x14A00  }
0x113: {  	[tilespmem:s29], [sflag:$0x2] =	stream.indirect_vreg.gather [hbm4b:s5+s3], $0x80, v3, vm0, $0xb8;
	[tilespmem:$0x1EA00] =	vst v63  }
0x114: {  	s29 =	simm.s32 $0x15200  }
0x115: {  	[tilespmem:s29], [sflag:$0x2] =	stream.indirect_vreg.gather [hbm4b:s6+s3], $0x80, v3, vm0, $0xb8;
	[tilespmem:$0x1EA00] =	vst v63  }
0x116: {  	v3 =	vld [tilespmem:s25+$0x0];
	_ =	sdelay $0x4  }
0x117: {  	v61 =	vshrl.u32 v3, $0x3  }
0x118: {  	v4 =	vmul.u32 $0x30, v61  }
0x119: {  	v3 =	vand.u32 $0x7, v3  }
0x11a: {  	v3 =	vor.u32 v3, v4  }
0x11b: {  	v4 =	vperm.xlane v3, v0;
	_ =	sdelay $0x1  }
0x11c: {  	v4 =	vadd.s32 v1, v4;
	_ =	sdelay $0x3  }
0x11d: {  	s29 =	simm.s32 $0x15A00;
	v3 =	vperm.xlane v3, v2  }
0x11e: {  	[tilespmem:s29], [sflag:$0x2] =	stream.indirect_vreg.gather [hbm4b:s2+s3], $0x80, v4, vm0, $0xb8;
	[tilespmem:$0x1EA00] =	vst v63  }
0x11f: {  	v3 =	vadd.s32 v1, v3;
	s29 =	simm.s32 $0x16200  }
0x120: {  	[tilespmem:s29], [sflag:$0x2] =	stream.indirect_vreg.gather [hbm4b:s5+s3], $0x80, v4, vm0, $0xb8;
	[tilespmem:$0x1EA00] =	vst v63  }
0x121: {  	_ = 	snop  }
0x122: {  	[tilespmem:s30], [sflag:$0x2] =	stream.indirect_vreg.gather [hbm4b:s6+s3], $0x80, v4, vm0, $0xb8;
	[tilespmem:$0x1EA00] =	vst v63  }
0x123: {  	_ = 	snop  }
0x124: {  	[tilespmem:s31], [sflag:$0x2] =	stream.indirect_vreg.gather [hbm4b:s2+s3], $0x80, v3, vm0, $0xb8;
	[tilespmem:$0x1EA00] =	vst v63  }
0x125: {  	_ = 	snop  }
0x126: {  	[tilespmem:s1], [sflag:$0x2] =	stream.indirect_vreg.gather [hbm4b:s5+s3], $0x80, v3, vm0, $0xb8;
	[tilespmem:$0x1EA00] =	vst v63  }
0x127: {  	_ = 	snop  }
0x128: {  	[tilespmem:s0], [sflag:$0x2] =	stream.indirect_vreg.gather [hbm4b:s6+s3], $0x80, v3, vm0, $0xb8;
	[tilespmem:$0x1EA00] =	vst v63  }
0x129: {  	v3 =	vld [tilespmem:s25+$0x10];
	_ =	sdelay $0x4  }
0x12a: {  	v62 =	vshrl.u32 v3, $0x3  }
0x12b: {  	v4 =	vmul.u32 $0x30, v62  }
0x12c: {  	v3 =	vand.u32 $0x7, v3  }
0x12d: {  	v3 =	vor.u32 v3, v4  }
0x12e: {  	v4 =	vperm.xlane v3, v0;
	_ =	sdelay $0x1  }
0x12f: {  	v4 =	vadd.s32 v1, v4;
	_ =	sdelay $0x3  }
0x130: {  	v3 =	vperm.xlane v3, v2  }
0x131: {  	[tilespmem:s4], [sflag:$0x2] =	stream.indirect_vreg.gather [hbm4b:s2+s3], $0x80, v4, vm0, $0xb8;
	[tilespmem:$0x1EA00] =	vst v63  }
0x132: {  	v3 =	vadd.s32 v1, v3  }
0x133: {  	[tilespmem:s7], [sflag:$0x2] =	stream.indirect_vreg.gather [hbm4b:s5+s3], $0x80, v4, vm0, $0xb8;
	[tilespmem:$0x1EA00] =	vst v63  }
0x134: {  	_ = 	snop  }
0x135: {  	[tilespmem:s9], [sflag:$0x2] =	stream.indirect_vreg.gather [hbm4b:s6+s3], $0x80, v4, vm0, $0xb8;
	[tilespmem:$0x1EA00] =	vst v63  }
0x136: {  	_ = 	snop  }
0x137: {  	[tilespmem:s11], [sflag:$0x2] =	stream.indirect_vreg.gather [hbm4b:s2+s3], $0x80, v3, vm0, $0xb8;
	[tilespmem:$0x1EA00] =	vst v63  }
0x138: {  	_ = 	snop  }
0x139: {  	[tilespmem:s12], [sflag:$0x2] =	stream.indirect_vreg.gather [hbm4b:s5+s3], $0x80, v3, vm0, $0xb8;
	[tilespmem:$0x1EA00] =	vst v63  }
0x13a: {  	_ = 	snop  }
0x13b: {  	[tilespmem:s13], [sflag:$0x2] =	stream.indirect_vreg.gather [hbm4b:s6+s3], $0x80, v3, vm0, $0xb8;
	[tilespmem:$0x1EA00] =	vst v63  }
0x13c: {  	v3 =	vld [tilespmem:s25+$0x20];
	_ =	sdelay $0x4  }
0x13d: {  	v63 =	vshrl.u32 v3, $0x3  }
0x13e: {  	v4 =	vmul.u32 $0x30, v63  }
0x13f: {  	v3 =	vand.u32 $0x7, v3  }
0x140: {  	v3 =	vor.u32 v3, v4  }
0x141: {  	v4 =	vperm.xlane v3, v0;
	_ =	sdelay $0x1  }
0x142: {  	v4 =	vadd.s32 v1, v4;
	_ =	sdelay $0x3  }
0x143: {  	v3 =	vperm.xlane v3, v2  }
0x144: {  	[tilespmem:s14], [sflag:$0x2] =	stream.indirect_vreg.gather [hbm4b:s2+s3], $0x80, v4, vm0, $0xb8;
	[tilespmem:$0x1EA00] =	vst v63  }
0x145: {  	v3 =	vadd.s32 v1, v3  }
0x146: {  	[tilespmem:s16], [sflag:$0x2] =	stream.indirect_vreg.gather [hbm4b:s5+s3], $0x80, v4, vm0, $0xb8;
	[tilespmem:$0x1EA00] =	vst v63  }
0x147: {  	_ = 	snop  }
0x148: {  	[tilespmem:s17], [sflag:$0x2] =	stream.indirect_vreg.gather [hbm4b:s6+s3], $0x80, v4, vm0, $0xb8;
	[tilespmem:$0x1EA00] =	vst v63  }
0x149: {  	_ = 	snop  }
0x14a: {  	[tilespmem:s18], [sflag:$0x2] =	stream.indirect_vreg.gather [hbm4b:s2+s3], $0x80, v3, vm0, $0xb8;
	[tilespmem:$0x1EA00] =	vst v63  }
0x14b: {  	_ = 	snop  }
0x14c: {  	[tilespmem:s19], [sflag:$0x2] =	stream.indirect_vreg.gather [hbm4b:s5+s3], $0x80, v3, vm0, $0xb8;
	[tilespmem:$0x1EA00] =	vst v63  }
0x14d: {  	_ = 	snop  }
0x14e: {  	[tilespmem:s20], [sflag:$0x2] =	stream.indirect_vreg.gather [hbm4b:s6+s3], $0x80, v3, vm0, $0xb8;
	[tilespmem:$0x1EA00] =	vst v63  }
.LBB2_4:
0x14f: {  	p0 =	seq.s32 s26, $0x38400  }
.Ltmp5:
0x150: {  	_ = 	snop;
	(pc) =	sbr.rel @p0 .LBB2_6-.Ltmp5, $4  }
0x151: {  	_ =	swait.ge [sflag:s21], $0xF000  }
0x152: {  	[sflag:s21] =	ssyncset.done $0x0  }
0x153: {  	s28 =	sadd.s32 s26, s8;
	[sflag:s21] =	ssyncadd.s32 $0xFFFF1000  }
0x154: {  	[hbm4b:s28+s3] =	stream.linear.scatter [tilespmem:s10], [sflag:$0x3], $0xF000, $0x38;
	[tilespmem:$0x1EA00] =	vst v63  }
0x155: {  	_ =	swait.ge [sflag:s23], $0xF000  }
0x156: {  	[sflag:s23] =	ssyncset.done $0x0  }
0x157: {  	[sflag:s23] =	ssyncadd.s32 $0xFFFF1000  }
0x158: {  	v3 =	vld [tilespmem:s25+$0x30];
	_ =	sdelay $0x4  }
0x159: {  	v4 =	vshrl.u32 v3, $0x3  }
0x15a: {  	v4 =	vmul.u32 $0x30, v4  }
0x15b: {  	v3 =	vand.u32 $0x7, v3  }
0x15c: {  	v3 =	vor.u32 v3, v4  }
0x15d: {  	v4 =	vperm.xlane v3, v0;
	_ =	sdelay $0x1  }
0x15e: {  	v4 =	vadd.s32 v1, v4;
	_ =	sdelay $0x3  }
0x15f: {  	v3 =	vperm.xlane v3, v2  }
0x160: {  	[tilespmem:s10], [sflag:$0x1] =	stream.indirect_vreg.gather [hbm4b:s2+s3], $0x80, v4, vm0, $0xb8;
	[tilespmem:$0x1EA00] =	vst v63  }
0x161: {  	s29 =	simm.s32 $0x1200;
	v3 =	vadd.s32 v1, v3  }
0x162: {  	[tilespmem:s29], [sflag:$0x1] =	stream.indirect_vreg.gather [hbm4b:s5+s3], $0x80, v4, vm0, $0xb8;
	[tilespmem:$0x1EA00] =	vst v63  }
0x163: {  	s29 =	simm.s32 $0x1A00  }
0x164: {  	[tilespmem:s29], [sflag:$0x1] =	stream.indirect_vreg.gather [hbm4b:s6+s3], $0x80, v4, vm0, $0xb8;
	[tilespmem:$0x1EA00] =	vst v63  }
0x165: {  	s29 =	simm.s32 $0x2200  }
0x166: {  	[tilespmem:s29], [sflag:$0x1] =	stream.indirect_vreg.gather [hbm4b:s2+s3], $0x80, v3, vm0, $0xb8;
	[tilespmem:$0x1EA00] =	vst v63  }
0x167: {  	s29 =	simm.s32 $0x2A00  }
0x168: {  	[tilespmem:s29], [sflag:$0x1] =	stream.indirect_vreg.gather [hbm4b:s5+s3], $0x80, v3, vm0, $0xb8;
	[tilespmem:$0x1EA00] =	vst v63  }
0x169: {  	s29 =	simm.s32 $0x3200  }
0x16a: {  	[tilespmem:s29], [sflag:$0x1] =	stream.indirect_vreg.gather [hbm4b:s6+s3], $0x80, v3, vm0, $0xb8;
	[tilespmem:$0x1EA00] =	vst v63  }
0x16b: {  	v3 =	vld [tilespmem:s25+$0x40];
	_ =	sdelay $0x4  }
0x16c: {  	v60 =	vshrl.u32 v3, $0x3  }
0x16d: {  	v4 =	vmul.u32 $0x30, v60  }
0x16e: {  	v3 =	vand.u32 $0x7, v3  }
0x16f: {  	v3 =	vor.u32 v3, v4  }
0x170: {  	v4 =	vperm.xlane v3, v0;
	_ =	sdelay $0x1  }
0x171: {  	v4 =	vadd.s32 v1, v4;
	_ =	sdelay $0x3  }
0x172: {  	s29 =	simm.s32 $0x3A00;
	v3 =	vperm.xlane v3, v2  }
0x173: {  	[tilespmem:s29], [sflag:$0x1] =	stream.indirect_vreg.gather [hbm4b:s2+s3], $0x80, v4, vm0, $0xb8;
	[tilespmem:$0x1EA00] =	vst v63  }
0x174: {  	v3 =	vadd.s32 v1, v3;
	s29 =	simm.s32 $0x4200  }
0x175: {  	[tilespmem:s29], [sflag:$0x1] =	stream.indirect_vreg.gather [hbm4b:s5+s3], $0x80, v4, vm0, $0xb8;
	[tilespmem:$0x1EA00] =	vst v63  }
0x176: {  	s29 =	simm.s32 $0x4A00  }
0x177: {  	[tilespmem:s29], [sflag:$0x1] =	stream.indirect_vreg.gather [hbm4b:s6+s3], $0x80, v4, vm0, $0xb8;
	[tilespmem:$0x1EA00] =	vst v63  }
0x178: {  	s29 =	simm.s32 $0x5200  }
0x179: {  	[tilespmem:s29], [sflag:$0x1] =	stream.indirect_vreg.gather [hbm4b:s2+s3], $0x80, v3, vm0, $0xb8;
	[tilespmem:$0x1EA00] =	vst v63  }
0x17a: {  	s29 =	simm.s32 $0x5A00  }
0x17b: {  	[tilespmem:s29], [sflag:$0x1] =	stream.indirect_vreg.gather [hbm4b:s5+s3], $0x80, v3, vm0, $0xb8;
	[tilespmem:$0x1EA00] =	vst v63  }
0x17c: {  	s29 =	simm.s32 $0x6200  }
0x17d: {  	[tilespmem:s29], [sflag:$0x1] =	stream.indirect_vreg.gather [hbm4b:s6+s3], $0x80, v3, vm0, $0xb8;
	[tilespmem:$0x1EA00] =	vst v63  }
0x17e: {  	v3 =	vld [tilespmem:s25+$0x50];
	_ =	sdelay $0x4  }
0x17f: {  	v61 =	vshrl.u32 v3, $0x3  }
0x180: {  	v4 =	vmul.u32 $0x30, v61  }
0x181: {  	v3 =	vand.u32 $0x7, v3  }
0x182: {  	v3 =	vor.u32 v3, v4  }
0x183: {  	v4 =	vperm.xlane v3, v0;
	_ =	sdelay $0x1  }
0x184: {  	v4 =	vadd.s32 v1, v4;
	_ =	sdelay $0x3  }
0x185: {  	s29 =	simm.s32 $0x6A00;
	v3 =	vperm.xlane v3, v2  }
0x186: {  	[tilespmem:s29], [sflag:$0x1] =	stream.indirect_vreg.gather [hbm4b:s2+s3], $0x80, v4, vm0, $0xb8;
	[tilespmem:$0x1EA00] =	vst v63  }
0x187: {  	v3 =	vadd.s32 v1, v3;
	s29 =	simm.s32 $0x7200  }
0x188: {  	[tilespmem:s29], [sflag:$0x1] =	stream.indirect_vreg.gather [hbm4b:s5+s3], $0x80, v4, vm0, $0xb8;
	[tilespmem:$0x1EA00] =	vst v63  }
0x189: {  	s29 =	simm.s32 $0x7A00  }
0x18a: {  	[tilespmem:s29], [sflag:$0x1] =	stream.indirect_vreg.gather [hbm4b:s6+s3], $0x80, v4, vm0, $0xb8;
	[tilespmem:$0x1EA00] =	vst v63  }
0x18b: {  	s29 =	simm.s32 $0x8200  }
0x18c: {  	[tilespmem:s29], [sflag:$0x1] =	stream.indirect_vreg.gather [hbm4b:s2+s3], $0x80, v3, vm0, $0xb8;
	[tilespmem:$0x1EA00] =	vst v63  }
0x18d: {  	s29 =	simm.s32 $0x8A00  }
0x18e: {  	[tilespmem:s29], [sflag:$0x1] =	stream.indirect_vreg.gather [hbm4b:s5+s3], $0x80, v3, vm0, $0xb8;
	[tilespmem:$0x1EA00] =	vst v63  }
0x18f: {  	s29 =	simm.s32 $0x9200  }
0x190: {  	[tilespmem:s29], [sflag:$0x1] =	stream.indirect_vreg.gather [hbm4b:s6+s3], $0x80, v3, vm0, $0xb8;
	[tilespmem:$0x1EA00] =	vst v63  }
0x191: {  	v3 =	vld [tilespmem:s25+$0x60];
	_ =	sdelay $0x4  }
0x192: {  	v62 =	vshrl.u32 v3, $0x3  }
0x193: {  	v4 =	vmul.u32 $0x30, v62  }
0x194: {  	v3 =	vand.u32 $0x7, v3  }
0x195: {  	v3 =	vor.u32 v3, v4  }
0x196: {  	v4 =	vperm.xlane v3, v0;
	_ =	sdelay $0x1  }
0x197: {  	v4 =	vadd.s32 v1, v4;
	_ =	sdelay $0x3  }
0x198: {  	s29 =	simm.s32 $0x9A00;
	v3 =	vperm.xlane v3, v2  }
0x199: {  	[tilespmem:s29], [sflag:$0x1] =	stream.indirect_vreg.gather [hbm4b:s2+s3], $0x80, v4, vm0, $0xb8;
	[tilespmem:$0x1EA00] =	vst v63  }
0x19a: {  	v3 =	vadd.s32 v1, v3;
	s29 =	simm.s32 $0xA200  }
0x19b: {  	[tilespmem:s29], [sflag:$0x1] =	stream.indirect_vreg.gather [hbm4b:s5+s3], $0x80, v4, vm0, $0xb8;
	[tilespmem:$0x1EA00] =	vst v63  }
0x19c: {  	s29 =	simm.s32 $0xAA00  }
0x19d: {  	[tilespmem:s29], [sflag:$0x1] =	stream.indirect_vreg.gather [hbm4b:s6+s3], $0x80, v4, vm0, $0xb8;
	[tilespmem:$0x1EA00] =	vst v63  }
0x19e: {  	s29 =	simm.s32 $0xB200  }
0x19f: {  	[tilespmem:s29], [sflag:$0x1] =	stream.indirect_vreg.gather [hbm4b:s2+s3], $0x80, v3, vm0, $0xb8;
	[tilespmem:$0x1EA00] =	vst v63  }
0x1a0: {  	s29 =	simm.s32 $0xBA00  }
0x1a1: {  	[tilespmem:s29], [sflag:$0x1] =	stream.indirect_vreg.gather [hbm4b:s5+s3], $0x80, v3, vm0, $0xb8;
	[tilespmem:$0x1EA00] =	vst v63  }
0x1a2: {  	s29 =	simm.s32 $0xC200  }
0x1a3: {  	[tilespmem:s29], [sflag:$0x1] =	stream.indirect_vreg.gather [hbm4b:s6+s3], $0x80, v3, vm0, $0xb8;
	[tilespmem:$0x1EA00] =	vst v63  }
0x1a4: {  	v3 =	vld [tilespmem:s25+$0x70];
	_ =	sdelay $0x4  }
0x1a5: {  	v63 =	vshrl.u32 v3, $0x3  }
0x1a6: {  	v4 =	vmul.u32 $0x30, v63  }
0x1a7: {  	v3 =	vand.u32 $0x7, v3  }
0x1a8: {  	v3 =	vor.u32 v3, v4  }
0x1a9: {  	v4 =	vperm.xlane v3, v0;
	_ =	sdelay $0x1  }
0x1aa: {  	v4 =	vadd.s32 v1, v4;
	_ =	sdelay $0x3  }
0x1ab: {  	s29 =	simm.s32 $0xCA00;
	v3 =	vperm.xlane v3, v2  }
0x1ac: {  	[tilespmem:s29], [sflag:$0x1] =	stream.indirect_vreg.gather [hbm4b:s2+s3], $0x80, v4, vm0, $0xb8;
	[tilespmem:$0x1EA00] =	vst v63  }
0x1ad: {  	v3 =	vadd.s32 v1, v3;
	s29 =	simm.s32 $0xD200  }
0x1ae: {  	[tilespmem:s29], [sflag:$0x1] =	stream.indirect_vreg.gather [hbm4b:s5+s3], $0x80, v4, vm0, $0xb8;
	[tilespmem:$0x1EA00] =	vst v63  }
0x1af: {  	s29 =	simm.s32 $0xDA00  }
0x1b0: {  	[tilespmem:s29], [sflag:$0x1] =	stream.indirect_vreg.gather [hbm4b:s6+s3], $0x80, v4, vm0, $0xb8;
	[tilespmem:$0x1EA00] =	vst v63  }
0x1b1: {  	s29 =	simm.s32 $0xE200  }
0x1b2: {  	[tilespmem:s29], [sflag:$0x1] =	stream.indirect_vreg.gather [hbm4b:s2+s3], $0x80, v3, vm0, $0xb8;
	[tilespmem:$0x1EA00] =	vst v63  }
.Ltmp6:
0x1b3: {  	_ = 	snop;
	(pc) =	sbr.rel .LBB2_6-.Ltmp6, $4  }
0x1b4: {  	s29 =	simm.s32 $0xEA00  }
0x1b5: {  	[tilespmem:s29], [sflag:$0x1] =	stream.indirect_vreg.gather [hbm4b:s5+s3], $0x80, v3, vm0, $0xb8;
	[tilespmem:$0x1EA00] =	vst v63  }
0x1b6: {  	s29 =	simm.s32 $0xF200  }
0x1b7: {  	[tilespmem:s29], [sflag:$0x1] =	stream.indirect_vreg.gather [hbm4b:s6+s3], $0x80, v3, vm0, $0xb8;
	[tilespmem:$0x1EA00] =	vst v63  }
.LBB2_8:
0x1b8: {  	_ =	sfence.sel $0x180000  }
0x1b9: {  	[bflag:$0x0] =	sbarrier.arrive $0xFFFF  }
0x1ba: {  	_ =	strace $0x90000047  }
0x1bb: {  	s0 =	stileid.u32;
	[bflag:$0x2] =	sbarrier.arrive $0xFFFF  }
0x1bc: {  	p0 =	sne.s32 s0, $0x0;
	s0 =	rddreg [dreg:$0x3]  }
0x1bd: {  	s0 =	sadd.s32 @!p0 $0x100000, s0  }
0x1be: {  	[sflag:s0] =	ssyncadd.tile.s32 @!p0 $0x1;
	_ =	shalt  }
.Lfunc_end2:
_tile_overlayer_lowered:
.L_overlay_start_2:
0x1bf: {  	(tag) =	ssettag $0x2  }
0x1c0: {  	s0 =	rddreg [dreg:$0x0];
	s2 =	stileid.u32  }
0x1c1: {  	s1 =	rddreg [dreg:$0x1];
	p0 =	sne.s32 s2, $0x0  }
0x1c2: {  	s3 =	rddreg [dreg:$0x2];
	[bflag:$0x3] =	sbarrier.arrive $0xFFFF;
	s2 =	simm.s32 @!p0 $0x1C05  }
0x1c3: {  	[timem:s3], [sflag:s2] =	dma.local @!p0 [hbm:s0], s1  }
0x1c4: {  	s0 =	simm.s32 @!p0 $0x5  }
0x1c5: {  	_ =	swait.ge @!p0 [sflag:s0], s1  }
0x1c6: {  	s1 =	ssub.s32 @!p0 $0x0, s1;
	[sflag:s0] =	ssyncset.done @!p0 $0x0  }
0x1c7: {  	[sflag:s0] =	ssyncadd.s32 @!p0 s1  }
0x1c8: {  	[bflag:$0x3] =	sbarrier.arrive $0xFFFF  }
0x1c9: {  	_ =	shalt  }

</sc_bundles>
